<compile_context>
chip_gen: v7x
topology: tpu7x:2x2x1
jax: 0.10.2.dev20260603
libtpu: 0.0.44.dev20260713+nightly
codegen_flags: <defaults>
</compile_context>

<pallas_src>
import functools

import jax
import jax.numpy as jnp
import numpy as np
from jax import lax
from jax.experimental import pallas as pl
from jax.experimental.pallas import tpu as pltpu
from jax.experimental.pallas import tpu_sc as plsc

BATCH = 4096
IMG_D = 2048
LAB_D = 1000
PROB = 0.3
ALPHA = 0.4
NTILES = 32
SLAB = BATCH // NTILES
CHUNK = 8
NCHUNK = 7
LANES = 16


HALF = BATCH // 2
HSLAB = HALF // NTILES


def _global_plan():
    rng = np.random.RandomState(0)
    inds = np.arange(BATCH)
    new_inds = inds.copy()
    rng.shuffle(new_inds)
    moved = inds[inds != new_inds]
    aug_count = int(moved.shape[0] * PROB)
    to_augment = rng.choice(moved, aug_count, replace=False)
    betas = rng.beta(ALPHA, ALPHA, size=aug_count).astype(np.float32)
    return new_inds, to_augment, betas


def _plan_part(lo, hslab):
    new_inds, to_augment, betas = _global_plan()
    hi = lo + hslab * NTILES
    sel_h = (to_augment >= lo) & (to_augment < hi)
    rows_h = to_augment[sel_h]

    nch = max(int(-(-np.sum((rows_h // hslab) == (lo // hslab + w)) // CHUNK))
              for w in range(NTILES))
    nch = max(nch, 1)
    aid = np.zeros((NTILES, nch, CHUNK), np.int32)
    pid = np.zeros((NTILES, nch, CHUNK), np.int32)
    cnt = np.zeros((NTILES, LANES), np.int32)
    for w in range(NTILES):
        base = lo + w * hslab
        sel = (rows_h >= base) & (rows_h < base + hslab)
        rows = rows_h[sel]
        order = np.argsort(rows)
        rows = rows[order]
        n = rows.shape[0]
        if n == 0:
            continue
        npad = -n % CHUNK
        rows = np.concatenate([rows, np.repeat(rows[:1], npad)])
        nq = rows.shape[0] // CHUNK
        cnt[w, 0] = nq
        aid[w, :nq] = (rows - lo).reshape(nq, CHUNK)
        pid[w, :nq] = new_inds[rows].reshape(nq, CHUNK)
    return aid, pid, cnt, nch


@functools.cache
def _plan_arrays():
    new_inds, to_augment, betas = _global_plan()
    msk = np.zeros((BATCH, 1), np.float32)
    msk[to_augment] = 1.0
    bcol = np.zeros((BATCH, 1), np.float32)
    bcol[to_augment, 0] = betas
    aid, pid, cnt, nch = _plan_part(0, SLAB)
    return (jnp.asarray(aid), jnp.asarray(pid), jnp.asarray(cnt), nch,
            jnp.asarray(msk), jnp.asarray(bcol))


def _mix_body(nch, imgs_hbm, aid_hbm, pid_hbm, cnt_hbm,
              part_hbm,
              aid_v, pid_v, cnt_v,
              buf0, buf1, buf2,
              sg0, sg1, sg2, ss0, ss1, ss2):
    w = lax.axis_index("c") * 16 + lax.axis_index("s")

    pltpu.sync_copy(aid_hbm.at[w], aid_v)
    pltpu.sync_copy(pid_hbm.at[w], pid_v)
    pltpu.sync_copy(cnt_hbm.at[w], cnt_v)
    nq = cnt_v[pl.ds(0, LANES)][0]

    bufs = (buf0, buf1, buf2)
    sgs = (sg0, sg1, sg2)
    sss = (ss0, ss1, ss2)

    def gath(q, slot):
        pltpu.async_copy(imgs_hbm.at[pid_v.at[q]], bufs[slot], sgs[slot])

    def wait_g(slot):
        pltpu.make_async_copy(imgs_hbm.at[pid_v.at[0]], bufs[slot],
                              sgs[slot]).wait()

    def scat(q, slot):
        pltpu.async_copy(bufs[slot], part_hbm.at[aid_v.at[q]], sss[slot])

    def wait_s(slot):
        pltpu.make_async_copy(bufs[slot], part_hbm.at[aid_v.at[0]],
                              sss[slot]).wait()

    @pl.when(0 < nq)
    def _():
        gath(0, 0)

    @pl.when(1 < nq)
    def _():
        gath(1, 1)

    for q in range(nch):
        slot = q % 3

        @pl.when(q < nq)
        def _(q=q, slot=slot):
            wait_g(slot)
            scat(q, slot)

        if q + 2 < nch:
            nslot = (q + 2) % 3

            @pl.when(q + 2 < nq)
            def _(q=q, nslot=nslot):
                if q >= 1:
                    wait_s(nslot)
                gath(q + 2, nslot)

    for slot in range(3):
        @pl.when(jnp.logical_or(nq >= 3, nq > slot))
        def _(slot=slot):
            wait_s(slot)


ASM_ROWS = 512


def _asm_body(img_ref, part_ref, msk_ref, bcol_ref, oi_ref):
    m = msk_ref[...]
    b = bcol_ref[...]
    x = img_ref[...]
    mixed = b * x + (1.0 - b) * part_ref[...]
    oi_ref[...] = jnp.where(m > 0.0, mixed, x)


def _assemble(imgs, part, msk, bcol):
    return pl.pallas_call(
        _asm_body,
        grid=(BATCH // ASM_ROWS,),
        in_specs=[
            pl.BlockSpec((ASM_ROWS, IMG_D), lambda i: (i, 0)),
            pl.BlockSpec((ASM_ROWS, IMG_D), lambda i: (i, 0)),
            pl.BlockSpec((ASM_ROWS, 1), lambda i: (i, 0)),
            pl.BlockSpec((ASM_ROWS, 1), lambda i: (i, 0)),
        ],
        out_specs=pl.BlockSpec((ASM_ROWS, IMG_D), lambda i: (i, 0)),
        out_shape=jax.ShapeDtypeStruct((BATCH, IMG_D), jnp.float32),
    )(imgs, part, msk, bcol)


def _sc_gather(imgs, aid, pid, cnt, nch):
    mesh = plsc.VectorSubcoreMesh(core_axis_name="c", subcore_axis_name="s")
    run = pl.kernel(
        functools.partial(_mix_body, nch),
        out_type=jax.ShapeDtypeStruct((BATCH, IMG_D), jnp.float32),
        mesh=mesh,
        scratch_types=[
            pltpu.VMEM((nch, CHUNK), jnp.int32),
            pltpu.VMEM((nch, CHUNK), jnp.int32),
            pltpu.VMEM((LANES,), jnp.int32),
            pltpu.VMEM((CHUNK, IMG_D), jnp.float32),
            pltpu.VMEM((CHUNK, IMG_D), jnp.float32),
            pltpu.VMEM((CHUNK, IMG_D), jnp.float32),
            pltpu.SemaphoreType.DMA,
            pltpu.SemaphoreType.DMA,
            pltpu.SemaphoreType.DMA,
            pltpu.SemaphoreType.DMA,
            pltpu.SemaphoreType.DMA,
            pltpu.SemaphoreType.DMA,
        ],
    )
    return run(imgs, aid, pid, cnt)


@jax.jit
def kernel(imgs, labels):
    aid, pid, cnt, nch, msk, bcol = _plan_arrays()
    part = _sc_gather(imgs, aid, pid, cnt, nch)
    return _assemble(imgs, part, msk, bcol), labels

# --- scband reference (transcript-rebuilt; emitter-appended) ---
"""Pipeline reference for scband-mix-up-14585708937738 (READ-ONLY COPY).

The authoritative reference and input builder live on the scoring server;
editing this copy changes nothing except your own understanding.
"""

import jax, jax.numpy as jnp
import numpy as np

PROB = 0.3
ALPHA = 0.4
MIXUP_MODE = 'basic'

def setup_inputs(seed: int = 0) -> dict:
    key = jax.random.key(seed)
    k1, k2 = jax.random.split(key)
    imgs = jax.random.normal(k1, (4096, 2048), dtype=jnp.float32)
    labels = jax.random.uniform(k2, (4096, 1000), dtype=jnp.float32)
    return {"imgs": imgs, "labels": labels}

def _mix_plan(batch_size):
    rng = np.random.RandomState(0)
    inds = np.arange(batch_size)
    new_inds = inds.copy()
    rng.shuffle(new_inds)
    moved = inds[inds != new_inds]
    aug_count = int(moved.shape[0] * PROB)
    to_augment = rng.choice(moved, aug_count, replace=False)
    betas = rng.beta(ALPHA, ALPHA, size=aug_count).astype(np.float32)
    return new_inds, to_augment, betas

def reference(imgs, labels):
    new_inds, to_augment, betas_np = _mix_plan(imgs.shape[0])
    new_inds = jnp.asarray(new_inds, dtype=jnp.int32)
    to_augment = jnp.asarray(to_augment, dtype=jnp.int32)
    betas = jnp.asarray(betas_np)[:, None]
    imgs_partner = imgs[new_inds][to_augment]
    imgs_mixed = betas * imgs[to_augment] + (1.0 - betas) * imgs_partner
    labels_partner = labels[new_inds][to_augment]
    if MIXUP_MODE == 'basic':
        labels_mixed = betas * labels[to_augment] + (1.0 - betas) * labels_partner
    elif MIXUP_MODE == 'or':
        labels_mixed = jnp.clip(labels[to_augment] + labels_partner, a_max=1.0)
    else:
        labels_mixed = labels[to_augment]
    imgs_out = imgs.at[to_augment].set(imgs_mixed)
    labels_out = labels.at[to_augment].set(labels_mixed)
    return (imgs_out, labels_out)

if __name__ == "__main__":
    import jax
    _d = setup_inputs()
    print(jax.jit(kernel)(*tuple(_d.values())))

</pallas_src>

<mosaic_0001>
#map = affine_map<(d0, d1) -> (0, 0)>
#map1 = affine_map<(d0, d1) -> (0, 0, 0)>
module attributes {stable_mosaic.version = 14 : i64} {
  func.func @_mix_body(%arg0: i32, %arg1: i32, %arg2: memref<4096x2048xf32, #tpu.memory_space<hbm>>, %arg3: memref<32x7x8xi32, #tpu.memory_space<hbm>>, %arg4: memref<32x7x8xi32, #tpu.memory_space<hbm>>, %arg5: memref<32x16xi32, #tpu.memory_space<hbm>>, %arg6: memref<4096x2048xf32, #tpu.memory_space<hbm>>, %arg7: memref<7x8xi32, #tpu.memory_space<vmem>>, %arg8: memref<7x8xi32, #tpu.memory_space<vmem>>, %arg9: memref<16xi32, #tpu.memory_space<vmem>>, %arg10: memref<8x2048xf32, #tpu.memory_space<vmem>>, %arg11: memref<8x2048xf32, #tpu.memory_space<vmem>>, %arg12: memref<8x2048xf32, #tpu.memory_space<vmem>>, %arg13: memref<!tpu.dma_semaphore, #tpu.memory_space<semaphore_mem>>, %arg14: memref<!tpu.dma_semaphore, #tpu.memory_space<semaphore_mem>>, %arg15: memref<!tpu.dma_semaphore, #tpu.memory_space<semaphore_mem>>, %arg16: memref<!tpu.dma_semaphore, #tpu.memory_space<semaphore_mem>>, %arg17: memref<!tpu.dma_semaphore, #tpu.memory_space<semaphore_mem>>, %arg18: memref<!tpu.dma_semaphore, #tpu.memory_space<semaphore_mem>>) attributes {dimension_semantics = [#tpu.dimension_semantics<core_parallel>, #tpu.dimension_semantics<subcore_parallel>], iteration_bounds = array<i64: 2, 16>, scalar_prefetch = 0 : i64, scratch_operands = 12 : i64, tpu.core_type = #tpu.core_type<sc_vector_subcore>, window_params = [{transform_indices = #map}, {transform_indices = #map1}, {transform_indices = #map1}, {transform_indices = #map}, {transform_indices = #map}]} {
    %mul3A = arith.constant 16 : i32
    %mul3A_0 = arith.muli %arg0, %mul3A : i32
    %add3A = arith.addi %mul3A_0, %arg1 : i32
    "tpu.region"() ({
      %run_scoped3A = tpu.sem_alloc : memref<!tpu.dma_semaphore, #tpu.memory_space<semaphore_mem>>
      %dma_start3A = arith.constant 0 : i32
      %dma_start3A_92 = arith.constant 0 : i32
      %dma_start3A_93 = tpu.memref_slice %arg3[%add3A, %dma_start3A, %dma_start3A_92] : memref<32x7x8xi32, #tpu.memory_space<hbm>> -> memref<1x7x8xi32, #tpu.memory_space<hbm>>
      %dma_start3A_94 = tpu.memref_squeeze %dma_start3A_93 : memref<1x7x8xi32, #tpu.memory_space<hbm>> -> memref<7x8xi32, #tpu.memory_space<hbm>>
      %dma_start3A_95 = arith.constant 0 : i32
      %dma_start3A_96 = arith.constant 0 : i32
      %dma_start3A_97 = tpu.memref_slice %arg3[%add3A, %dma_start3A_95, %dma_start3A_96] : memref<32x7x8xi32, #tpu.memory_space<hbm>> -> memref<1x7x8xi32, #tpu.memory_space<hbm>>
      %dma_start3A_98 = tpu.memref_squeeze %dma_start3A_97 : memref<1x7x8xi32, #tpu.memory_space<hbm>> -> memref<7x8xi32, #tpu.memory_space<hbm>>
      tpu.enqueue_dma source(%dma_start3A_98 : memref<7x8xi32, #tpu.memory_space<hbm>>) target(%arg7 : memref<7x8xi32, #tpu.memory_space<vmem>>) target_semaphore(%run_scoped3A : memref<!tpu.dma_semaphore, #tpu.memory_space<semaphore_mem>>)
      %dma_wait3A = arith.constant 0 : i32
      %dma_wait3A_99 = arith.constant 0 : i32
      %dma_wait3A_100 = tpu.memref_slice %arg3[%add3A, %dma_wait3A, %dma_wait3A_99] : memref<32x7x8xi32, #tpu.memory_space<hbm>> -> memref<1x7x8xi32, #tpu.memory_space<hbm>>
      %dma_wait3A_101 = tpu.memref_squeeze %dma_wait3A_100 : memref<1x7x8xi32, #tpu.memory_space<hbm>> -> memref<7x8xi32, #tpu.memory_space<hbm>>
      %dma_wait3A_102 = arith.constant 0 : i32
      %dma_wait3A_103 = arith.constant 0 : i32
      %dma_wait3A_104 = tpu.memref_slice %arg3[%add3A, %dma_wait3A_102, %dma_wait3A_103] : memref<32x7x8xi32, #tpu.memory_space<hbm>> -> memref<1x7x8xi32, #tpu.memory_space<hbm>>
      %dma_wait3A_105 = tpu.memref_squeeze %dma_wait3A_104 : memref<1x7x8xi32, #tpu.memory_space<hbm>> -> memref<7x8xi32, #tpu.memory_space<hbm>>
      tpu.wait_dma2 semaphore(%run_scoped3A : memref<!tpu.dma_semaphore, #tpu.memory_space<semaphore_mem>>) src(%dma_wait3A_105 : memref<7x8xi32, #tpu.memory_space<hbm>>) dst(%arg7 : memref<7x8xi32, #tpu.memory_space<vmem>>)
      tpu.yield
    }) : () -> ()
    "tpu.region"() ({
      %run_scoped3A = tpu.sem_alloc : memref<!tpu.dma_semaphore, #tpu.memory_space<semaphore_mem>>
      %dma_start3A = arith.constant 0 : i32
      %dma_start3A_92 = arith.constant 0 : i32
      %dma_start3A_93 = tpu.memref_slice %arg4[%add3A, %dma_start3A, %dma_start3A_92] : memref<32x7x8xi32, #tpu.memory_space<hbm>> -> memref<1x7x8xi32, #tpu.memory_space<hbm>>
      %dma_start3A_94 = tpu.memref_squeeze %dma_start3A_93 : memref<1x7x8xi32, #tpu.memory_space<hbm>> -> memref<7x8xi32, #tpu.memory_space<hbm>>
      %dma_start3A_95 = arith.constant 0 : i32
      %dma_start3A_96 = arith.constant 0 : i32
      %dma_start3A_97 = tpu.memref_slice %arg4[%add3A, %dma_start3A_95, %dma_start3A_96] : memref<32x7x8xi32, #tpu.memory_space<hbm>> -> memref<1x7x8xi32, #tpu.memory_space<hbm>>
      %dma_start3A_98 = tpu.memref_squeeze %dma_start3A_97 : memref<1x7x8xi32, #tpu.memory_space<hbm>> -> memref<7x8xi32, #tpu.memory_space<hbm>>
      tpu.enqueue_dma source(%dma_start3A_98 : memref<7x8xi32, #tpu.memory_space<hbm>>) target(%arg8 : memref<7x8xi32, #tpu.memory_space<vmem>>) target_semaphore(%run_scoped3A : memref<!tpu.dma_semaphore, #tpu.memory_space<semaphore_mem>>)
      %dma_wait3A = arith.constant 0 : i32
      %dma_wait3A_99 = arith.constant 0 : i32
      %dma_wait3A_100 = tpu.memref_slice %arg4[%add3A, %dma_wait3A, %dma_wait3A_99] : memref<32x7x8xi32, #tpu.memory_space<hbm>> -> memref<1x7x8xi32, #tpu.memory_space<hbm>>
      %dma_wait3A_101 = tpu.memref_squeeze %dma_wait3A_100 : memref<1x7x8xi32, #tpu.memory_space<hbm>> -> memref<7x8xi32, #tpu.memory_space<hbm>>
      %dma_wait3A_102 = arith.constant 0 : i32
      %dma_wait3A_103 = arith.constant 0 : i32
      %dma_wait3A_104 = tpu.memref_slice %arg4[%add3A, %dma_wait3A_102, %dma_wait3A_103] : memref<32x7x8xi32, #tpu.memory_space<hbm>> -> memref<1x7x8xi32, #tpu.memory_space<hbm>>
      %dma_wait3A_105 = tpu.memref_squeeze %dma_wait3A_104 : memref<1x7x8xi32, #tpu.memory_space<hbm>> -> memref<7x8xi32, #tpu.memory_space<hbm>>
      tpu.wait_dma2 semaphore(%run_scoped3A : memref<!tpu.dma_semaphore, #tpu.memory_space<semaphore_mem>>) src(%dma_wait3A_105 : memref<7x8xi32, #tpu.memory_space<hbm>>) dst(%arg8 : memref<7x8xi32, #tpu.memory_space<vmem>>)
      tpu.yield
    }) : () -> ()
    "tpu.region"() ({
      %run_scoped3A = tpu.sem_alloc : memref<!tpu.dma_semaphore, #tpu.memory_space<semaphore_mem>>
      %dma_start3A = arith.constant 0 : i32
      %dma_start3A_92 = tpu.memref_slice %arg5[%add3A, %dma_start3A] : memref<32x16xi32, #tpu.memory_space<hbm>> -> memref<1x16xi32, #tpu.memory_space<hbm>>
      %dma_start3A_93 = tpu.memref_squeeze %dma_start3A_92 : memref<1x16xi32, #tpu.memory_space<hbm>> -> memref<16xi32, #tpu.memory_space<hbm>>
      %dma_start3A_94 = arith.constant 0 : i32
      %dma_start3A_95 = tpu.memref_slice %arg5[%add3A, %dma_start3A_94] : memref<32x16xi32, #tpu.memory_space<hbm>> -> memref<1x16xi32, #tpu.memory_space<hbm>>
      %dma_start3A_96 = tpu.memref_squeeze %dma_start3A_95 : memref<1x16xi32, #tpu.memory_space<hbm>> -> memref<16xi32, #tpu.memory_space<hbm>>
      tpu.enqueue_dma source(%dma_start3A_96 : memref<16xi32, #tpu.memory_space<hbm>>) target(%arg9 : memref<16xi32, #tpu.memory_space<vmem>>) target_semaphore(%run_scoped3A : memref<!tpu.dma_semaphore, #tpu.memory_space<semaphore_mem>>)
      %dma_wait3A = arith.constant 0 : i32
      %dma_wait3A_97 = tpu.memref_slice %arg5[%add3A, %dma_wait3A] : memref<32x16xi32, #tpu.memory_space<hbm>> -> memref<1x16xi32, #tpu.memory_space<hbm>>
      %dma_wait3A_98 = tpu.memref_squeeze %dma_wait3A_97 : memref<1x16xi32, #tpu.memory_space<hbm>> -> memref<16xi32, #tpu.memory_space<hbm>>
      %dma_wait3A_99 = arith.constant 0 : i32
      %dma_wait3A_100 = tpu.memref_slice %arg5[%add3A, %dma_wait3A_99] : memref<32x16xi32, #tpu.memory_space<hbm>> -> memref<1x16xi32, #tpu.memory_space<hbm>>
      %dma_wait3A_101 = tpu.memref_squeeze %dma_wait3A_100 : memref<1x16xi32, #tpu.memory_space<hbm>> -> memref<16xi32, #tpu.memory_space<hbm>>
      tpu.wait_dma2 semaphore(%run_scoped3A : memref<!tpu.dma_semaphore, #tpu.memory_space<semaphore_mem>>) src(%dma_wait3A_101 : memref<16xi32, #tpu.memory_space<hbm>>) dst(%arg9 : memref<16xi32, #tpu.memory_space<vmem>>)
      tpu.yield
    }) : () -> ()
    %get3A = arith.constant 0 : index
    %get3A_1 = tpu.vector_load %arg9[%get3A] {strides = array<i32>} : memref<16xi32, #tpu.memory_space<vmem>>, vector<16xi32>,
    %get3A_2 = vector.shape_cast %get3A_1 : vector<16xi32> to vector<16xi32>
    %slice3A = vector.extract_strided_slice %get3A_2 {offsets = [0], sizes = [1], strides = [1]} : vector<16xi32> to vector<1xi32>
    %squeeze3A = vector.extract %slice3A[0] : i32 from vector<1xi32>
    %gt3A = arith.constant 0 : i32
    %gt3A_3 = arith.cmpi sgt, %squeeze3A, %gt3A : i32
    %convert_element_type3A = arith.extui %gt3A_3 : i1 to i32
    %cond3A = arith.constant 0 : i32
    %cond3A_4 = arith.cmpi ne, %convert_element_type3A, %cond3A : i32
    scf.if %cond3A_4 {
      %dma_start3A = arith.constant 0 : i32
      %dma_start3A_92 = arith.constant 0 : i32
      %dma_start3A_93 = tpu.memref_slice %arg8[%dma_start3A, %dma_start3A_92] : memref<7x8xi32, #tpu.memory_space<vmem>> -> memref<1x8xi32, #tpu.memory_space<vmem>>
      %dma_start3A_94 = tpu.memref_squeeze %dma_start3A_93 : memref<1x8xi32, #tpu.memory_space<vmem>> -> memref<8xi32, #tpu.memory_space<vmem>>
      %dma_start3A_95 = arith.constant 0 : i32
      %dma_start3A_96 = arith.constant 0 : i32
      %dma_start3A_97 = tpu.memref_slice %arg2[%dma_start3A_95, %dma_start3A_96] : memref<4096x2048xf32, #tpu.memory_space<hbm>> -> memref<4096x2048xf32, #tpu.memory_space<hbm>>
      tpu.enqueue_indirect_dma source(%dma_start3A_97 : memref<4096x2048xf32, #tpu.memory_space<hbm>>) target(%arg10 : memref<8x2048xf32, #tpu.memory_space<vmem>>) offsets(%dma_start3A_94 : memref<8xi32, #tpu.memory_space<vmem>>) semaphore(%arg13 : memref<!tpu.dma_semaphore, #tpu.memory_space<semaphore_mem>>)
    } else {
    }
    %gt3A_5 = arith.constant 1 : i32
    %gt3A_6 = arith.cmpi sgt, %squeeze3A, %gt3A_5 : i32
    %convert_element_type3A_7 = arith.extui %gt3A_6 : i1 to i32
    %cond3A_8 = arith.constant 0 : i32
    %cond3A_9 = arith.cmpi ne, %convert_element_type3A_7, %cond3A_8 : i32
    scf.if %cond3A_9 {
      %dma_start3A = arith.constant 1 : i32
      %dma_start3A_92 = arith.constant 0 : i32
      %dma_start3A_93 = tpu.memref_slice %arg8[%dma_start3A, %dma_start3A_92] : memref<7x8xi32, #tpu.memory_space<vmem>> -> memref<1x8xi32, #tpu.memory_space<vmem>>
      %dma_start3A_94 = tpu.memref_squeeze %dma_start3A_93 : memref<1x8xi32, #tpu.memory_space<vmem>> -> memref<8xi32, #tpu.memory_space<vmem>>
      %dma_start3A_95 = arith.constant 0 : i32
      %dma_start3A_96 = arith.constant 0 : i32
      %dma_start3A_97 = tpu.memref_slice %arg2[%dma_start3A_95, %dma_start3A_96] : memref<4096x2048xf32, #tpu.memory_space<hbm>> -> memref<4096x2048xf32, #tpu.memory_space<hbm>>
      tpu.enqueue_indirect_dma source(%dma_start3A_97 : memref<4096x2048xf32, #tpu.memory_space<hbm>>) target(%arg11 : memref<8x2048xf32, #tpu.memory_space<vmem>>) offsets(%dma_start3A_94 : memref<8xi32, #tpu.memory_space<vmem>>) semaphore(%arg14 : memref<!tpu.dma_semaphore, #tpu.memory_space<semaphore_mem>>)
    } else {
    }
    %gt3A_10 = arith.constant 0 : i32
    %gt3A_11 = arith.cmpi sgt, %squeeze3A, %gt3A_10 : i32
    %convert_element_type3A_12 = arith.extui %gt3A_11 : i1 to i32
    %cond3A_13 = arith.constant 0 : i32
    %cond3A_14 = arith.cmpi ne, %convert_element_type3A_12, %cond3A_13 : i32
    scf.if %cond3A_14 {
      %dma_wait3A = arith.constant 0 : i32
      %dma_wait3A_92 = arith.constant 0 : i32
      %dma_wait3A_93 = tpu.memref_slice %arg8[%dma_wait3A, %dma_wait3A_92] : memref<7x8xi32, #tpu.memory_space<vmem>> -> memref<1x8xi32, #tpu.memory_space<vmem>>
      %dma_wait3A_94 = tpu.memref_squeeze %dma_wait3A_93 : memref<1x8xi32, #tpu.memory_space<vmem>> -> memref<8xi32, #tpu.memory_space<vmem>>
      %dma_wait3A_95 = arith.constant 0 : i32
      %dma_wait3A_96 = arith.constant 0 : i32
      %dma_wait3A_97 = tpu.memref_slice %arg2[%dma_wait3A_95, %dma_wait3A_96] : memref<4096x2048xf32, #tpu.memory_space<hbm>> -> memref<4096x2048xf32, #tpu.memory_space<hbm>>
      tpu.wait_indirect_dma semaphore(%arg13 : memref<!tpu.dma_semaphore, #tpu.memory_space<semaphore_mem>>) src(%dma_wait3A_97 : memref<4096x2048xf32, #tpu.memory_space<hbm>>) dst(%arg10 : memref<8x2048xf32, #tpu.memory_space<vmem>>)
      %dma_start3A = arith.constant 0 : i32
      %dma_start3A_98 = arith.constant 0 : i32
      %dma_start3A_99 = tpu.memref_slice %arg7[%dma_start3A, %dma_start3A_98] : memref<7x8xi32, #tpu.memory_space<vmem>> -> memref<1x8xi32, #tpu.memory_space<vmem>>
      %dma_start3A_100 = tpu.memref_squeeze %dma_start3A_99 : memref<1x8xi32, #tpu.memory_space<vmem>> -> memref<8xi32, #tpu.memory_space<vmem>>
      %dma_start3A_101 = arith.constant 0 : i32
      %dma_start3A_102 = arith.constant 0 : i32
      %dma_start3A_103 = tpu.memref_slice %arg6[%dma_start3A_101, %dma_start3A_102] : memref<4096x2048xf32, #tpu.memory_space<hbm>> -> memref<4096x2048xf32, #tpu.memory_space<hbm>>
      tpu.enqueue_indirect_dma source(%arg10 : memref<8x2048xf32, #tpu.memory_space<vmem>>) target(%dma_start3A_103 : memref<4096x2048xf32, #tpu.memory_space<hbm>>) offsets(%dma_start3A_100 : memref<8xi32, #tpu.memory_space<vmem>>) semaphore(%arg16 : memref<!tpu.dma_semaphore, #tpu.memory_space<semaphore_mem>>)
    } else {
    }
    %gt3A_15 = arith.constant 2 : i32
    %gt3A_16 = arith.cmpi sgt, %squeeze3A, %gt3A_15 : i32
    %convert_element_type3A_17 = arith.extui %gt3A_16 : i1 to i32
    %cond3A_18 = arith.constant 0 : i32
    %cond3A_19 = arith.cmpi ne, %convert_element_type3A_17, %cond3A_18 : i32
    scf.if %cond3A_19 {
      %dma_start3A = arith.constant 2 : i32
      %dma_start3A_92 = arith.constant 0 : i32
      %dma_start3A_93 = tpu.memref_slice %arg8[%dma_start3A, %dma_start3A_92] : memref<7x8xi32, #tpu.memory_space<vmem>> -> memref<1x8xi32, #tpu.memory_space<vmem>>
      %dma_start3A_94 = tpu.memref_squeeze %dma_start3A_93 : memref<1x8xi32, #tpu.memory_space<vmem>> -> memref<8xi32, #tpu.memory_space<vmem>>
      %dma_start3A_95 = arith.constant 0 : i32
      %dma_start3A_96 = arith.constant 0 : i32
      %dma_start3A_97 = tpu.memref_slice %arg2[%dma_start3A_95, %dma_start3A_96] : memref<4096x2048xf32, #tpu.memory_space<hbm>> -> memref<4096x2048xf32, #tpu.memory_space<hbm>>
      tpu.enqueue_indirect_dma source(%dma_start3A_97 : memref<4096x2048xf32, #tpu.memory_space<hbm>>) target(%arg12 : memref<8x2048xf32, #tpu.memory_space<vmem>>) offsets(%dma_start3A_94 : memref<8xi32, #tpu.memory_space<vmem>>) semaphore(%arg15 : memref<!tpu.dma_semaphore, #tpu.memory_space<semaphore_mem>>)
    } else {
    }
    %gt3A_20 = arith.constant 1 : i32
    %gt3A_21 = arith.cmpi sgt, %squeeze3A, %gt3A_20 : i32
    %convert_element_type3A_22 = arith.extui %gt3A_21 : i1 to i32
    %cond3A_23 = arith.constant 0 : i32
    %cond3A_24 = arith.cmpi ne, %convert_element_type3A_22, %cond3A_23 : i32
    scf.if %cond3A_24 {
      %dma_wait3A = arith.constant 0 : i32
      %dma_wait3A_92 = arith.constant 0 : i32
      %dma_wait3A_93 = tpu.memref_slice %arg8[%dma_wait3A, %dma_wait3A_92] : memref<7x8xi32, #tpu.memory_space<vmem>> -> memref<1x8xi32, #tpu.memory_space<vmem>>
      %dma_wait3A_94 = tpu.memref_squeeze %dma_wait3A_93 : memref<1x8xi32, #tpu.memory_space<vmem>> -> memref<8xi32, #tpu.memory_space<vmem>>
      %dma_wait3A_95 = arith.constant 0 : i32
      %dma_wait3A_96 = arith.constant 0 : i32
      %dma_wait3A_97 = tpu.memref_slice %arg2[%dma_wait3A_95, %dma_wait3A_96] : memref<4096x2048xf32, #tpu.memory_space<hbm>> -> memref<4096x2048xf32, #tpu.memory_space<hbm>>
      tpu.wait_indirect_dma semaphore(%arg14 : memref<!tpu.dma_semaphore, #tpu.memory_space<semaphore_mem>>) src(%dma_wait3A_97 : memref<4096x2048xf32, #tpu.memory_space<hbm>>) dst(%arg11 : memref<8x2048xf32, #tpu.memory_space<vmem>>)
      %dma_start3A = arith.constant 1 : i32
      %dma_start3A_98 = arith.constant 0 : i32
      %dma_start3A_99 = tpu.memref_slice %arg7[%dma_start3A, %dma_start3A_98] : memref<7x8xi32, #tpu.memory_space<vmem>> -> memref<1x8xi32, #tpu.memory_space<vmem>>
      %dma_start3A_100 = tpu.memref_squeeze %dma_start3A_99 : memref<1x8xi32, #tpu.memory_space<vmem>> -> memref<8xi32, #tpu.memory_space<vmem>>
      %dma_start3A_101 = arith.constant 0 : i32
      %dma_start3A_102 = arith.constant 0 : i32
      %dma_start3A_103 = tpu.memref_slice %arg6[%dma_start3A_101, %dma_start3A_102] : memref<4096x2048xf32, #tpu.memory_space<hbm>> -> memref<4096x2048xf32, #tpu.memory_space<hbm>>
      tpu.enqueue_indirect_dma source(%arg11 : memref<8x2048xf32, #tpu.memory_space<vmem>>) target(%dma_start3A_103 : memref<4096x2048xf32, #tpu.memory_space<hbm>>) offsets(%dma_start3A_100 : memref<8xi32, #tpu.memory_space<vmem>>) semaphore(%arg17 : memref<!tpu.dma_semaphore, #tpu.memory_space<semaphore_mem>>)
    } else {
    }
    %gt3A_25 = arith.constant 3 : i32
    %gt3A_26 = arith.cmpi sgt, %squeeze3A, %gt3A_25 : i32
    %convert_element_type3A_27 = arith.extui %gt3A_26 : i1 to i32
    %cond3A_28 = arith.constant 0 : i32
    %cond3A_29 = arith.cmpi ne, %convert_element_type3A_27, %cond3A_28 : i32
    scf.if %cond3A_29 {
      %dma_wait3A = arith.constant 0 : i32
      %dma_wait3A_92 = arith.constant 0 : i32
      %dma_wait3A_93 = tpu.memref_slice %arg7[%dma_wait3A, %dma_wait3A_92] : memref<7x8xi32, #tpu.memory_space<vmem>> -> memref<1x8xi32, #tpu.memory_space<vmem>>
      %dma_wait3A_94 = tpu.memref_squeeze %dma_wait3A_93 : memref<1x8xi32, #tpu.memory_space<vmem>> -> memref<8xi32, #tpu.memory_space<vmem>>
      %dma_wait3A_95 = arith.constant 0 : i32
      %dma_wait3A_96 = arith.constant 0 : i32
      %dma_wait3A_97 = tpu.memref_slice %arg6[%dma_wait3A_95, %dma_wait3A_96] : memref<4096x2048xf32, #tpu.memory_space<hbm>> -> memref<4096x2048xf32, #tpu.memory_space<hbm>>
      tpu.wait_indirect_dma semaphore(%arg16 : memref<!tpu.dma_semaphore, #tpu.memory_space<semaphore_mem>>) src(%arg10 : memref<8x2048xf32, #tpu.memory_space<vmem>>) dst(%dma_wait3A_97 : memref<4096x2048xf32, #tpu.memory_space<hbm>>)
      %dma_start3A = arith.constant 3 : i32
      %dma_start3A_98 = arith.constant 0 : i32
      %dma_start3A_99 = tpu.memref_slice %arg8[%dma_start3A, %dma_start3A_98] : memref<7x8xi32, #tpu.memory_space<vmem>> -> memref<1x8xi32, #tpu.memory_space<vmem>>
      %dma_start3A_100 = tpu.memref_squeeze %dma_start3A_99 : memref<1x8xi32, #tpu.memory_space<vmem>> -> memref<8xi32, #tpu.memory_space<vmem>>
      %dma_start3A_101 = arith.constant 0 : i32
      %dma_start3A_102 = arith.constant 0 : i32
      %dma_start3A_103 = tpu.memref_slice %arg2[%dma_start3A_101, %dma_start3A_102] : memref<4096x2048xf32, #tpu.memory_space<hbm>> -> memref<4096x2048xf32, #tpu.memory_space<hbm>>
      tpu.enqueue_indirect_dma source(%dma_start3A_103 : memref<4096x2048xf32, #tpu.memory_space<hbm>>) target(%arg10 : memref<8x2048xf32, #tpu.memory_space<vmem>>) offsets(%dma_start3A_100 : memref<8xi32, #tpu.memory_space<vmem>>) semaphore(%arg13 : memref<!tpu.dma_semaphore, #tpu.memory_space<semaphore_mem>>)
    } else {
    }
    %gt3A_30 = arith.constant 2 : i32
    %gt3A_31 = arith.cmpi sgt, %squeeze3A, %gt3A_30 : i32
    %convert_element_type3A_32 = arith.extui %gt3A_31 : i1 to i32
    %cond3A_33 = arith.constant 0 : i32
    %cond3A_34 = arith.cmpi ne, %convert_element_type3A_32, %cond3A_33 : i32
    scf.if %cond3A_34 {
      %dma_wait3A = arith.constant 0 : i32
      %dma_wait3A_92 = arith.constant 0 : i32
      %dma_wait3A_93 = tpu.memref_slice %arg8[%dma_wait3A, %dma_wait3A_92] : memref<7x8xi32, #tpu.memory_space<vmem>> -> memref<1x8xi32, #tpu.memory_space<vmem>>
      %dma_wait3A_94 = tpu.memref_squeeze %dma_wait3A_93 : memref<1x8xi32, #tpu.memory_space<vmem>> -> memref<8xi32, #tpu.memory_space<vmem>>
      %dma_wait3A_95 = arith.constant 0 : i32
      %dma_wait3A_96 = arith.constant 0 : i32
      %dma_wait3A_97 = tpu.memref_slice %arg2[%dma_wait3A_95, %dma_wait3A_96] : memref<4096x2048xf32, #tpu.memory_space<hbm>> -> memref<4096x2048xf32, #tpu.memory_space<hbm>>
      tpu.wait_indirect_dma semaphore(%arg15 : memref<!tpu.dma_semaphore, #tpu.memory_space<semaphore_mem>>) src(%dma_wait3A_97 : memref<4096x2048xf32, #tpu.memory_space<hbm>>) dst(%arg12 : memref<8x2048xf32, #tpu.memory_space<vmem>>)
      %dma_start3A = arith.constant 2 : i32
      %dma_start3A_98 = arith.constant 0 : i32
      %dma_start3A_99 = tpu.memref_slice %arg7[%dma_start3A, %dma_start3A_98] : memref<7x8xi32, #tpu.memory_space<vmem>> -> memref<1x8xi32, #tpu.memory_space<vmem>>
      %dma_start3A_100 = tpu.memref_squeeze %dma_start3A_99 : memref<1x8xi32, #tpu.memory_space<vmem>> -> memref<8xi32, #tpu.memory_space<vmem>>
      %dma_start3A_101 = arith.constant 0 : i32
      %dma_start3A_102 = arith.constant 0 : i32
      %dma_start3A_103 = tpu.memref_slice %arg6[%dma_start3A_101, %dma_start3A_102] : memref<4096x2048xf32, #tpu.memory_space<hbm>> -> memref<4096x2048xf32, #tpu.memory_space<hbm>>
      tpu.enqueue_indirect_dma source(%arg12 : memref<8x2048xf32, #tpu.memory_space<vmem>>) target(%dma_start3A_103 : memref<4096x2048xf32, #tpu.memory_space<hbm>>) offsets(%dma_start3A_100 : memref<8xi32, #tpu.memory_space<vmem>>) semaphore(%arg18 : memref<!tpu.dma_semaphore, #tpu.memory_space<semaphore_mem>>)
    } else {
    }
    %gt3A_35 = arith.constant 4 : i32
    %gt3A_36 = arith.cmpi sgt, %squeeze3A, %gt3A_35 : i32
    %convert_element_type3A_37 = arith.extui %gt3A_36 : i1 to i32
    %cond3A_38 = arith.constant 0 : i32
    %cond3A_39 = arith.cmpi ne, %convert_element_type3A_37, %cond3A_38 : i32
    scf.if %cond3A_39 {
      %dma_wait3A = arith.constant 0 : i32
      %dma_wait3A_92 = arith.constant 0 : i32
      %dma_wait3A_93 = tpu.memref_slice %arg7[%dma_wait3A, %dma_wait3A_92] : memref<7x8xi32, #tpu.memory_space<vmem>> -> memref<1x8xi32, #tpu.memory_space<vmem>>
      %dma_wait3A_94 = tpu.memref_squeeze %dma_wait3A_93 : memref<1x8xi32, #tpu.memory_space<vmem>> -> memref<8xi32, #tpu.memory_space<vmem>>
      %dma_wait3A_95 = arith.constant 0 : i32
      %dma_wait3A_96 = arith.constant 0 : i32
      %dma_wait3A_97 = tpu.memref_slice %arg6[%dma_wait3A_95, %dma_wait3A_96] : memref<4096x2048xf32, #tpu.memory_space<hbm>> -> memref<4096x2048xf32, #tpu.memory_space<hbm>>
      tpu.wait_indirect_dma semaphore(%arg17 : memref<!tpu.dma_semaphore, #tpu.memory_space<semaphore_mem>>) src(%arg11 : memref<8x2048xf32, #tpu.memory_space<vmem>>) dst(%dma_wait3A_97 : memref<4096x2048xf32, #tpu.memory_space<hbm>>)
      %dma_start3A = arith.constant 4 : i32
      %dma_start3A_98 = arith.constant 0 : i32
      %dma_start3A_99 = tpu.memref_slice %arg8[%dma_start3A, %dma_start3A_98] : memref<7x8xi32, #tpu.memory_space<vmem>> -> memref<1x8xi32, #tpu.memory_space<vmem>>
      %dma_start3A_100 = tpu.memref_squeeze %dma_start3A_99 : memref<1x8xi32, #tpu.memory_space<vmem>> -> memref<8xi32, #tpu.memory_space<vmem>>
      %dma_start3A_101 = arith.constant 0 : i32
      %dma_start3A_102 = arith.constant 0 : i32
      %dma_start3A_103 = tpu.memref_slice %arg2[%dma_start3A_101, %dma_start3A_102] : memref<4096x2048xf32, #tpu.memory_space<hbm>> -> memref<4096x2048xf32, #tpu.memory_space<hbm>>
      tpu.enqueue_indirect_dma source(%dma_start3A_103 : memref<4096x2048xf32, #tpu.memory_space<hbm>>) target(%arg11 : memref<8x2048xf32, #tpu.memory_space<vmem>>) offsets(%dma_start3A_100 : memref<8xi32, #tpu.memory_space<vmem>>) semaphore(%arg14 : memref<!tpu.dma_semaphore, #tpu.memory_space<semaphore_mem>>)
    } else {
    }
    %gt3A_40 = arith.constant 3 : i32
    %gt3A_41 = arith.cmpi sgt, %squeeze3A, %gt3A_40 : i32
    %convert_element_type3A_42 = arith.extui %gt3A_41 : i1 to i32
    %cond3A_43 = arith.constant 0 : i32
    %cond3A_44 = arith.cmpi ne, %convert_element_type3A_42, %cond3A_43 : i32
    scf.if %cond3A_44 {
      %dma_wait3A = arith.constant 0 : i32
      %dma_wait3A_92 = arith.constant 0 : i32
      %dma_wait3A_93 = tpu.memref_slice %arg8[%dma_wait3A, %dma_wait3A_92] : memref<7x8xi32, #tpu.memory_space<vmem>> -> memref<1x8xi32, #tpu.memory_space<vmem>>
      %dma_wait3A_94 = tpu.memref_squeeze %dma_wait3A_93 : memref<1x8xi32, #tpu.memory_space<vmem>> -> memref<8xi32, #tpu.memory_space<vmem>>
      %dma_wait3A_95 = arith.constant 0 : i32
      %dma_wait3A_96 = arith.constant 0 : i32
      %dma_wait3A_97 = tpu.memref_slice %arg2[%dma_wait3A_95, %dma_wait3A_96] : memref<4096x2048xf32, #tpu.memory_space<hbm>> -> memref<4096x2048xf32, #tpu.memory_space<hbm>>
      tpu.wait_indirect_dma semaphore(%arg13 : memref<!tpu.dma_semaphore, #tpu.memory_space<semaphore_mem>>) src(%dma_wait3A_97 : memref<4096x2048xf32, #tpu.memory_space<hbm>>) dst(%arg10 : memref<8x2048xf32, #tpu.memory_space<vmem>>)
      %dma_start3A = arith.constant 3 : i32
      %dma_start3A_98 = arith.constant 0 : i32
      %dma_start3A_99 = tpu.memref_slice %arg7[%dma_start3A, %dma_start3A_98] : memref<7x8xi32, #tpu.memory_space<vmem>> -> memref<1x8xi32, #tpu.memory_space<vmem>>
      %dma_start3A_100 = tpu.memref_squeeze %dma_start3A_99 : memref<1x8xi32, #tpu.memory_space<vmem>> -> memref<8xi32, #tpu.memory_space<vmem>>
      %dma_start3A_101 = arith.constant 0 : i32
      %dma_start3A_102 = arith.constant 0 : i32
      %dma_start3A_103 = tpu.memref_slice %arg6[%dma_start3A_101, %dma_start3A_102] : memref<4096x2048xf32, #tpu.memory_space<hbm>> -> memref<4096x2048xf32, #tpu.memory_space<hbm>>
      tpu.enqueue_indirect_dma source(%arg10 : memref<8x2048xf32, #tpu.memory_space<vmem>>) target(%dma_start3A_103 : memref<4096x2048xf32, #tpu.memory_space<hbm>>) offsets(%dma_start3A_100 : memref<8xi32, #tpu.memory_space<vmem>>) semaphore(%arg16 : memref<!tpu.dma_semaphore, #tpu.memory_space<semaphore_mem>>)
    } else {
    }
    %gt3A_45 = arith.constant 5 : i32
    %gt3A_46 = arith.cmpi sgt, %squeeze3A, %gt3A_45 : i32
    %convert_element_type3A_47 = arith.extui %gt3A_46 : i1 to i32
    %cond3A_48 = arith.constant 0 : i32
    %cond3A_49 = arith.cmpi ne, %convert_element_type3A_47, %cond3A_48 : i32
    scf.if %cond3A_49 {
      %dma_wait3A = arith.constant 0 : i32
      %dma_wait3A_92 = arith.constant 0 : i32
      %dma_wait3A_93 = tpu.memref_slice %arg7[%dma_wait3A, %dma_wait3A_92] : memref<7x8xi32, #tpu.memory_space<vmem>> -> memref<1x8xi32, #tpu.memory_space<vmem>>
      %dma_wait3A_94 = tpu.memref_squeeze %dma_wait3A_93 : memref<1x8xi32, #tpu.memory_space<vmem>> -> memref<8xi32, #tpu.memory_space<vmem>>
      %dma_wait3A_95 = arith.constant 0 : i32
      %dma_wait3A_96 = arith.constant 0 : i32
      %dma_wait3A_97 = tpu.memref_slice %arg6[%dma_wait3A_95, %dma_wait3A_96] : memref<4096x2048xf32, #tpu.memory_space<hbm>> -> memref<4096x2048xf32, #tpu.memory_space<hbm>>
      tpu.wait_indirect_dma semaphore(%arg18 : memref<!tpu.dma_semaphore, #tpu.memory_space<semaphore_mem>>) src(%arg12 : memref<8x2048xf32, #tpu.memory_space<vmem>>) dst(%dma_wait3A_97 : memref<4096x2048xf32, #tpu.memory_space<hbm>>)
      %dma_start3A = arith.constant 5 : i32
      %dma_start3A_98 = arith.constant 0 : i32
      %dma_start3A_99 = tpu.memref_slice %arg8[%dma_start3A, %dma_start3A_98] : memref<7x8xi32, #tpu.memory_space<vmem>> -> memref<1x8xi32, #tpu.memory_space<vmem>>
      %dma_start3A_100 = tpu.memref_squeeze %dma_start3A_99 : memref<1x8xi32, #tpu.memory_space<vmem>> -> memref<8xi32, #tpu.memory_space<vmem>>
      %dma_start3A_101 = arith.constant 0 : i32
      %dma_start3A_102 = arith.constant 0 : i32
      %dma_start3A_103 = tpu.memref_slice %arg2[%dma_start3A_101, %dma_start3A_102] : memref<4096x2048xf32, #tpu.memory_space<hbm>> -> memref<4096x2048xf32, #tpu.memory_space<hbm>>
      tpu.enqueue_indirect_dma source(%dma_start3A_103 : memref<4096x2048xf32, #tpu.memory_space<hbm>>) target(%arg12 : memref<8x2048xf32, #tpu.memory_space<vmem>>) offsets(%dma_start3A_100 : memref<8xi32, #tpu.memory_space<vmem>>) semaphore(%arg15 : memref<!tpu.dma_semaphore, #tpu.memory_space<semaphore_mem>>)
    } else {
    }
    %gt3A_50 = arith.constant 4 : i32
    %gt3A_51 = arith.cmpi sgt, %squeeze3A, %gt3A_50 : i32
    %convert_element_type3A_52 = arith.extui %gt3A_51 : i1 to i32
    %cond3A_53 = arith.constant 0 : i32
    %cond3A_54 = arith.cmpi ne, %convert_element_type3A_52, %cond3A_53 : i32
    scf.if %cond3A_54 {
      %dma_wait3A = arith.constant 0 : i32
      %dma_wait3A_92 = arith.constant 0 : i32
      %dma_wait3A_93 = tpu.memref_slice %arg8[%dma_wait3A, %dma_wait3A_92] : memref<7x8xi32, #tpu.memory_space<vmem>> -> memref<1x8xi32, #tpu.memory_space<vmem>>
      %dma_wait3A_94 = tpu.memref_squeeze %dma_wait3A_93 : memref<1x8xi32, #tpu.memory_space<vmem>> -> memref<8xi32, #tpu.memory_space<vmem>>
      %dma_wait3A_95 = arith.constant 0 : i32
      %dma_wait3A_96 = arith.constant 0 : i32
      %dma_wait3A_97 = tpu.memref_slice %arg2[%dma_wait3A_95, %dma_wait3A_96] : memref<4096x2048xf32, #tpu.memory_space<hbm>> -> memref<4096x2048xf32, #tpu.memory_space<hbm>>
      tpu.wait_indirect_dma semaphore(%arg14 : memref<!tpu.dma_semaphore, #tpu.memory_space<semaphore_mem>>) src(%dma_wait3A_97 : memref<4096x2048xf32, #tpu.memory_space<hbm>>) dst(%arg11 : memref<8x2048xf32, #tpu.memory_space<vmem>>)
      %dma_start3A = arith.constant 4 : i32
      %dma_start3A_98 = arith.constant 0 : i32
      %dma_start3A_99 = tpu.memref_slice %arg7[%dma_start3A, %dma_start3A_98] : memref<7x8xi32, #tpu.memory_space<vmem>> -> memref<1x8xi32, #tpu.memory_space<vmem>>
      %dma_start3A_100 = tpu.memref_squeeze %dma_start3A_99 : memref<1x8xi32, #tpu.memory_space<vmem>> -> memref<8xi32, #tpu.memory_space<vmem>>
      %dma_start3A_101 = arith.constant 0 : i32
      %dma_start3A_102 = arith.constant 0 : i32
      %dma_start3A_103 = tpu.memref_slice %arg6[%dma_start3A_101, %dma_start3A_102] : memref<4096x2048xf32, #tpu.memory_space<hbm>> -> memref<4096x2048xf32, #tpu.memory_space<hbm>>
      tpu.enqueue_indirect_dma source(%arg11 : memref<8x2048xf32, #tpu.memory_space<vmem>>) target(%dma_start3A_103 : memref<4096x2048xf32, #tpu.memory_space<hbm>>) offsets(%dma_start3A_100 : memref<8xi32, #tpu.memory_space<vmem>>) semaphore(%arg17 : memref<!tpu.dma_semaphore, #tpu.memory_space<semaphore_mem>>)
    } else {
    }
    %gt3A_55 = arith.constant 6 : i32
    %gt3A_56 = arith.cmpi sgt, %squeeze3A, %gt3A_55 : i32
    %convert_element_type3A_57 = arith.extui %gt3A_56 : i1 to i32
    %cond3A_58 = arith.constant 0 : i32
    %cond3A_59 = arith.cmpi ne, %convert_element_type3A_57, %cond3A_58 : i32
    scf.if %cond3A_59 {
      %dma_wait3A = arith.constant 0 : i32
      %dma_wait3A_92 = arith.constant 0 : i32
      %dma_wait3A_93 = tpu.memref_slice %arg7[%dma_wait3A, %dma_wait3A_92] : memref<7x8xi32, #tpu.memory_space<vmem>> -> memref<1x8xi32, #tpu.memory_space<vmem>>
      %dma_wait3A_94 = tpu.memref_squeeze %dma_wait3A_93 : memref<1x8xi32, #tpu.memory_space<vmem>> -> memref<8xi32, #tpu.memory_space<vmem>>
      %dma_wait3A_95 = arith.constant 0 : i32
      %dma_wait3A_96 = arith.constant 0 : i32
      %dma_wait3A_97 = tpu.memref_slice %arg6[%dma_wait3A_95, %dma_wait3A_96] : memref<4096x2048xf32, #tpu.memory_space<hbm>> -> memref<4096x2048xf32, #tpu.memory_space<hbm>>
      tpu.wait_indirect_dma semaphore(%arg16 : memref<!tpu.dma_semaphore, #tpu.memory_space<semaphore_mem>>) src(%arg10 : memref<8x2048xf32, #tpu.memory_space<vmem>>) dst(%dma_wait3A_97 : memref<4096x2048xf32, #tpu.memory_space<hbm>>)
      %dma_start3A = arith.constant 6 : i32
      %dma_start3A_98 = arith.constant 0 : i32
      %dma_start3A_99 = tpu.memref_slice %arg8[%dma_start3A, %dma_start3A_98] : memref<7x8xi32, #tpu.memory_space<vmem>> -> memref<1x8xi32, #tpu.memory_space<vmem>>
      %dma_start3A_100 = tpu.memref_squeeze %dma_start3A_99 : memref<1x8xi32, #tpu.memory_space<vmem>> -> memref<8xi32, #tpu.memory_space<vmem>>
      %dma_start3A_101 = arith.constant 0 : i32
      %dma_start3A_102 = arith.constant 0 : i32
      %dma_start3A_103 = tpu.memref_slice %arg2[%dma_start3A_101, %dma_start3A_102] : memref<4096x2048xf32, #tpu.memory_space<hbm>> -> memref<4096x2048xf32, #tpu.memory_space<hbm>>
      tpu.enqueue_indirect_dma source(%dma_start3A_103 : memref<4096x2048xf32, #tpu.memory_space<hbm>>) target(%arg10 : memref<8x2048xf32, #tpu.memory_space<vmem>>) offsets(%dma_start3A_100 : memref<8xi32, #tpu.memory_space<vmem>>) semaphore(%arg13 : memref<!tpu.dma_semaphore, #tpu.memory_space<semaphore_mem>>)
    } else {
    }
    %gt3A_60 = arith.constant 5 : i32
    %gt3A_61 = arith.cmpi sgt, %squeeze3A, %gt3A_60 : i32
    %convert_element_type3A_62 = arith.extui %gt3A_61 : i1 to i32
    %cond3A_63 = arith.constant 0 : i32
    %cond3A_64 = arith.cmpi ne, %convert_element_type3A_62, %cond3A_63 : i32
    scf.if %cond3A_64 {
      %dma_wait3A = arith.constant 0 : i32
      %dma_wait3A_92 = arith.constant 0 : i32
      %dma_wait3A_93 = tpu.memref_slice %arg8[%dma_wait3A, %dma_wait3A_92] : memref<7x8xi32, #tpu.memory_space<vmem>> -> memref<1x8xi32, #tpu.memory_space<vmem>>
      %dma_wait3A_94 = tpu.memref_squeeze %dma_wait3A_93 : memref<1x8xi32, #tpu.memory_space<vmem>> -> memref<8xi32, #tpu.memory_space<vmem>>
      %dma_wait3A_95 = arith.constant 0 : i32
      %dma_wait3A_96 = arith.constant 0 : i32
      %dma_wait3A_97 = tpu.memref_slice %arg2[%dma_wait3A_95, %dma_wait3A_96] : memref<4096x2048xf32, #tpu.memory_space<hbm>> -> memref<4096x2048xf32, #tpu.memory_space<hbm>>
      tpu.wait_indirect_dma semaphore(%arg15 : memref<!tpu.dma_semaphore, #tpu.memory_space<semaphore_mem>>) src(%dma_wait3A_97 : memref<4096x2048xf32, #tpu.memory_space<hbm>>) dst(%arg12 : memref<8x2048xf32, #tpu.memory_space<vmem>>)
      %dma_start3A = arith.constant 5 : i32
      %dma_start3A_98 = arith.constant 0 : i32
      %dma_start3A_99 = tpu.memref_slice %arg7[%dma_start3A, %dma_start3A_98] : memref<7x8xi32, #tpu.memory_space<vmem>> -> memref<1x8xi32, #tpu.memory_space<vmem>>
      %dma_start3A_100 = tpu.memref_squeeze %dma_start3A_99 : memref<1x8xi32, #tpu.memory_space<vmem>> -> memref<8xi32, #tpu.memory_space<vmem>>
      %dma_start3A_101 = arith.constant 0 : i32
      %dma_start3A_102 = arith.constant 0 : i32
      %dma_start3A_103 = tpu.memref_slice %arg6[%dma_start3A_101, %dma_start3A_102] : memref<4096x2048xf32, #tpu.memory_space<hbm>> -> memref<4096x2048xf32, #tpu.memory_space<hbm>>
      tpu.enqueue_indirect_dma source(%arg12 : memref<8x2048xf32, #tpu.memory_space<vmem>>) target(%dma_start3A_103 : memref<4096x2048xf32, #tpu.memory_space<hbm>>) offsets(%dma_start3A_100 : memref<8xi32, #tpu.memory_space<vmem>>) semaphore(%arg18 : memref<!tpu.dma_semaphore, #tpu.memory_space<semaphore_mem>>)
    } else {
    }
    %gt3A_65 = arith.constant 6 : i32
    %gt3A_66 = arith.cmpi sgt, %squeeze3A, %gt3A_65 : i32
    %convert_element_type3A_67 = arith.extui %gt3A_66 : i1 to i32
    %cond3A_68 = arith.constant 0 : i32
    %cond3A_69 = arith.cmpi ne, %convert_element_type3A_67, %cond3A_68 : i32
    scf.if %cond3A_69 {
      %dma_wait3A = arith.constant 0 : i32
      %dma_wait3A_92 = arith.constant 0 : i32
      %dma_wait3A_93 = tpu.memref_slice %arg8[%dma_wait3A, %dma_wait3A_92] : memref<7x8xi32, #tpu.memory_space<vmem>> -> memref<1x8xi32, #tpu.memory_space<vmem>>
      %dma_wait3A_94 = tpu.memref_squeeze %dma_wait3A_93 : memref<1x8xi32, #tpu.memory_space<vmem>> -> memref<8xi32, #tpu.memory_space<vmem>>
      %dma_wait3A_95 = arith.constant 0 : i32
      %dma_wait3A_96 = arith.constant 0 : i32
      %dma_wait3A_97 = tpu.memref_slice %arg2[%dma_wait3A_95, %dma_wait3A_96] : memref<4096x2048xf32, #tpu.memory_space<hbm>> -> memref<4096x2048xf32, #tpu.memory_space<hbm>>
      tpu.wait_indirect_dma semaphore(%arg13 : memref<!tpu.dma_semaphore, #tpu.memory_space<semaphore_mem>>) src(%dma_wait3A_97 : memref<4096x2048xf32, #tpu.memory_space<hbm>>) dst(%arg10 : memref<8x2048xf32, #tpu.memory_space<vmem>>)
      %dma_start3A = arith.constant 6 : i32
      %dma_start3A_98 = arith.constant 0 : i32
      %dma_start3A_99 = tpu.memref_slice %arg7[%dma_start3A, %dma_start3A_98] : memref<7x8xi32, #tpu.memory_space<vmem>> -> memref<1x8xi32, #tpu.memory_space<vmem>>
      %dma_start3A_100 = tpu.memref_squeeze %dma_start3A_99 : memref<1x8xi32, #tpu.memory_space<vmem>> -> memref<8xi32, #tpu.memory_space<vmem>>
      %dma_start3A_101 = arith.constant 0 : i32
      %dma_start3A_102 = arith.constant 0 : i32
      %dma_start3A_103 = tpu.memref_slice %arg6[%dma_start3A_101, %dma_start3A_102] : memref<4096x2048xf32, #tpu.memory_space<hbm>> -> memref<4096x2048xf32, #tpu.memory_space<hbm>>
      tpu.enqueue_indirect_dma source(%arg10 : memref<8x2048xf32, #tpu.memory_space<vmem>>) target(%dma_start3A_103 : memref<4096x2048xf32, #tpu.memory_space<hbm>>) offsets(%dma_start3A_100 : memref<8xi32, #tpu.memory_space<vmem>>) semaphore(%arg16 : memref<!tpu.dma_semaphore, #tpu.memory_space<semaphore_mem>>)
    } else {
    }
    %ge3A = arith.constant 3 : i32
    %ge3A_70 = arith.cmpi sge, %squeeze3A, %ge3A : i32
    %gt3A_71 = arith.constant 0 : i32
    %gt3A_72 = arith.cmpi sgt, %squeeze3A, %gt3A_71 : i32
    %or3A = arith.ori %ge3A_70, %gt3A_72 : i1
    %convert_element_type3A_73 = arith.extui %or3A : i1 to i32
    %cond3A_74 = arith.constant 0 : i32
    %cond3A_75 = arith.cmpi ne, %convert_element_type3A_73, %cond3A_74 : i32
    scf.if %cond3A_75 {
      %dma_wait3A = arith.constant 0 : i32
      %dma_wait3A_92 = arith.constant 0 : i32
      %dma_wait3A_93 = tpu.memref_slice %arg7[%dma_wait3A, %dma_wait3A_92] : memref<7x8xi32, #tpu.memory_space<vmem>> -> memref<1x8xi32, #tpu.memory_space<vmem>>
      %dma_wait3A_94 = tpu.memref_squeeze %dma_wait3A_93 : memref<1x8xi32, #tpu.memory_space<vmem>> -> memref<8xi32, #tpu.memory_space<vmem>>
      %dma_wait3A_95 = arith.constant 0 : i32
      %dma_wait3A_96 = arith.constant 0 : i32
      %dma_wait3A_97 = tpu.memref_slice %arg6[%dma_wait3A_95, %dma_wait3A_96] : memref<4096x2048xf32, #tpu.memory_space<hbm>> -> memref<4096x2048xf32, #tpu.memory_space<hbm>>
      tpu.wait_indirect_dma semaphore(%arg16 : memref<!tpu.dma_semaphore, #tpu.memory_space<semaphore_mem>>) src(%arg10 : memref<8x2048xf32, #tpu.memory_space<vmem>>) dst(%dma_wait3A_97 : memref<4096x2048xf32, #tpu.memory_space<hbm>>)
    } else {
    }
    %ge3A_76 = arith.constant 3 : i32
    %ge3A_77 = arith.cmpi sge, %squeeze3A, %ge3A_76 : i32
    %gt3A_78 = arith.constant 1 : i32
    %gt3A_79 = arith.cmpi sgt, %squeeze3A, %gt3A_78 : i32
    %or3A_80 = arith.ori %ge3A_77, %gt3A_79 : i1
    %convert_element_type3A_81 = arith.extui %or3A_80 : i1 to i32
    %cond3A_82 = arith.constant 0 : i32
    %cond3A_83 = arith.cmpi ne, %convert_element_type3A_81, %cond3A_82 : i32
    scf.if %cond3A_83 {
      %dma_wait3A = arith.constant 0 : i32
      %dma_wait3A_92 = arith.constant 0 : i32
      %dma_wait3A_93 = tpu.memref_slice %arg7[%dma_wait3A, %dma_wait3A_92] : memref<7x8xi32, #tpu.memory_space<vmem>> -> memref<1x8xi32, #tpu.memory_space<vmem>>
      %dma_wait3A_94 = tpu.memref_squeeze %dma_wait3A_93 : memref<1x8xi32, #tpu.memory_space<vmem>> -> memref<8xi32, #tpu.memory_space<vmem>>
      %dma_wait3A_95 = arith.constant 0 : i32
      %dma_wait3A_96 = arith.constant 0 : i32
      %dma_wait3A_97 = tpu.memref_slice %arg6[%dma_wait3A_95, %dma_wait3A_96] : memref<4096x2048xf32, #tpu.memory_space<hbm>> -> memref<4096x2048xf32, #tpu.memory_space<hbm>>
      tpu.wait_indirect_dma semaphore(%arg17 : memref<!tpu.dma_semaphore, #tpu.memory_space<semaphore_mem>>) src(%arg11 : memref<8x2048xf32, #tpu.memory_space<vmem>>) dst(%dma_wait3A_97 : memref<4096x2048xf32, #tpu.memory_space<hbm>>)
    } else {
    }
    %ge3A_84 = arith.constant 3 : i32
    %ge3A_85 = arith.cmpi sge, %squeeze3A, %ge3A_84 : i32
    %gt3A_86 = arith.constant 2 : i32
    %gt3A_87 = arith.cmpi sgt, %squeeze3A, %gt3A_86 : i32
    %or3A_88 = arith.ori %ge3A_85, %gt3A_87 : i1
    %convert_element_type3A_89 = arith.extui %or3A_88 : i1 to i32
    %cond3A_90 = arith.constant 0 : i32
    %cond3A_91 = arith.cmpi ne, %convert_element_type3A_89, %cond3A_90 : i32
    scf.if %cond3A_91 {
      %dma_wait3A = arith.constant 0 : i32
      %dma_wait3A_92 = arith.constant 0 : i32
      %dma_wait3A_93 = tpu.memref_slice %arg7[%dma_wait3A, %dma_wait3A_92] : memref<7x8xi32, #tpu.memory_space<vmem>> -> memref<1x8xi32, #tpu.memory_space<vmem>>
      %dma_wait3A_94 = tpu.memref_squeeze %dma_wait3A_93 : memref<1x8xi32, #tpu.memory_space<vmem>> -> memref<8xi32, #tpu.memory_space<vmem>>
      %dma_wait3A_95 = arith.constant 0 : i32
      %dma_wait3A_96 = arith.constant 0 : i32
      %dma_wait3A_97 = tpu.memref_slice %arg6[%dma_wait3A_95, %dma_wait3A_96] : memref<4096x2048xf32, #tpu.memory_space<hbm>> -> memref<4096x2048xf32, #tpu.memory_space<hbm>>
      tpu.wait_indirect_dma semaphore(%arg18 : memref<!tpu.dma_semaphore, #tpu.memory_space<semaphore_mem>>) src(%arg12 : memref<8x2048xf32, #tpu.memory_space<vmem>>) dst(%dma_wait3A_97 : memref<4096x2048xf32, #tpu.memory_space<hbm>>)
    } else {
    }
    return
  }
}

module attributes {stable_mosaic.version = 14 : i64} {
  func.func @_asm_body(%arg0: i32, %arg1: memref<512x2048xf32, #tpu.memory_space<vmem>>, %arg2: memref<512x2048xf32, #tpu.memory_space<vmem>>, %arg3: memref<512x1xf32, #tpu.memory_space<vmem>>, %arg4: memref<512x1xf32, #tpu.memory_space<vmem>>, %arg5: memref<512x2048xf32, #tpu.memory_space<vmem>>) attributes {dimension_semantics = [#tpu.dimension_semantics<arbitrary>], iteration_bounds = array<i64: 8>, scalar_prefetch = 0 : i64, scratch_operands = 0 : i64, tpu.core_type = #tpu.core_type<tc>, window_params = [{transform_indices = @transform_0, window_bounds = array<i64: 512, 2048>}, {transform_indices = @transform_1, window_bounds = array<i64: 512, 2048>}, {transform_indices = @transform_2, window_bounds = array<i64: 512, 1>}, {transform_indices = @transform_3, window_bounds = array<i64: 512, 1>}, {transform_indices = @transform_4, window_bounds = array<i64: 512, 2048>}]} {
    %get3A = arith.constant 0 : index
    %get3A_0 = arith.constant 0 : index
    %get3A_1 = vector.load %arg3[%get3A, %get3A_0] : memref<512x1xf32, #tpu.memory_space<vmem>>, vector<512x1xf32>
    %get3A_2 = arith.constant 0 : index
    %get3A_3 = arith.constant 0 : index
    %get3A_4 = vector.load %arg4[%get3A_2, %get3A_3] : memref<512x1xf32, #tpu.memory_space<vmem>>, vector<512x1xf32>
    %get3A_5 = arith.constant 0 : index
    %get3A_6 = arith.constant 0 : index
    %get3A_7 = vector.load %arg1[%get3A_5, %get3A_6] : memref<512x2048xf32, #tpu.memory_space<vmem>>, vector<512x2048xf32>
    %mul3A = vector.broadcast %get3A_4 : vector<512x1xf32> to vector<512x2048xf32>
    %mul3A_8 = arith.mulf %mul3A, %get3A_7 : vector<512x2048xf32>
    %sub3A = arith.constant 1.000000e+00 : f32
    %sub3A_9 = vector.broadcast %sub3A : f32 to vector<512x1xf32>
    %sub3A_10 = arith.subf %sub3A_9, %get3A_4 : vector<512x1xf32>
    %get3A_11 = arith.constant 0 : index
    %get3A_12 = arith.constant 0 : index
    %get3A_13 = vector.load %arg2[%get3A_11, %get3A_12] : memref<512x2048xf32, #tpu.memory_space<vmem>>, vector<512x2048xf32>
    %mul3A_14 = vector.broadcast %sub3A_10 : vector<512x1xf32> to vector<512x2048xf32>
    %mul3A_15 = arith.mulf %mul3A_14, %get3A_13 : vector<512x2048xf32>
    %add3A = arith.addf %mul3A_8, %mul3A_15 : vector<512x2048xf32>
    %gt3A = arith.constant 0.000000e+00 : f32
    %gt3A_16 = vector.broadcast %gt3A : f32 to vector<512x1xf32>
    %gt3A_17 = arith.cmpf ogt, %get3A_1, %gt3A_16 : vector<512x1xf32>
    %broadcast_in_dim3A = vector.shape_cast %gt3A_17 : vector<512x1xi1> to vector<512x1xi1>
    %broadcast_in_dim3A_18 = vector.broadcast %broadcast_in_dim3A : vector<512x1xi1> to vector<512x2048xi1>
    %select_n3A = arith.select %broadcast_in_dim3A_18, %add3A, %get3A_7 : vector<512x2048xi1>, vector<512x2048xf32>
    %swap3A = arith.constant 0 : index
    %swap3A_19 = arith.constant 0 : index
    %swap3A_20 = vector.load %arg5[%swap3A, %swap3A_19] : memref<512x2048xf32, #tpu.memory_space<vmem>>, vector<512x2048xf32>
    tpu.vector_store %arg5[%swap3A, %swap3A_19], %select_n3A {strides = array<i32>} : memref<512x2048xf32, #tpu.memory_space<vmem>>, vector<512x2048xf32>,
    return
  }
  func.func @transform_0(%arg0: i32) -> (i32, i32) {
    %c0_i32 = arith.constant 0 : i32
    %c0_i32_0 = arith.constant 0 : i32
    return %arg0, %c0_i32 : i32, i32
  }
  func.func @transform_1(%arg0: i32) -> (i32, i32) {
    %c0_i32 = arith.constant 0 : i32
    %c0_i32_0 = arith.constant 0 : i32
    return %arg0, %c0_i32 : i32, i32
  }
  func.func @transform_2(%arg0: i32) -> (i32, i32) {
    %c0_i32 = arith.constant 0 : i32
    %c0_i32_0 = arith.constant 0 : i32
    return %arg0, %c0_i32 : i32, i32
  }
  func.func @transform_3(%arg0: i32) -> (i32, i32) {
    %c0_i32 = arith.constant 0 : i32
    %c0_i32_0 = arith.constant 0 : i32
    return %arg0, %c0_i32 : i32, i32
  }
  func.func @transform_4(%arg0: i32) -> (i32, i32) {
    %c0_i32 = arith.constant 0 : i32
    %c0_i32_0 = arith.constant 0 : i32
    return %arg0, %c0_i32 : i32, i32
  }
}

</mosaic_0001>

<sc_bundles>
// kernel: kernel.4.cloned.1.call-start
scs
__scs_entry_jumppad:
0x0: {  	(pc) =	sbr.rel $0x88, $3  }
0x1: {  	(tag) =	ssettag $0x0;
	lr =	simm.s32 $0x1  }
0x2: {  	[smem:$0x3F9F] =	sst lr;
	_ =	strace $0xD0000000  }
0x3: {  	_ = 	snop  }
0x4: {  	_ = 	snop  }
0x5: {  	_ = 	snop  }
0x6: {  	_ = 	snop  }
0x7: {  	_ = 	snop  }
__scs_overlays_trampoline_lowered:
0x8: {  	[smem:$0x3FAE] =	sst s0  }
0x9: {  	[smem:$0x3FAF] =	sst s1  }
0xa: {  	[smem:$0x3FB0] =	sst s2  }
0xb: {  	[smem:$0x3FB1] =	sst s3  }
0xc: {  	[smem:$0x3FB2] =	sst s4  }
0xd: {  	[smem:$0x3FB3] =	sst s5  }
0xe: {  	[smem:$0x3FB4] =	sst s6  }
0xf: {  	[smem:$0x3FB5] =	sst s7  }
0x10: {  	[smem:$0x3FB6] =	sst s8  }
0x11: {  	[smem:$0x3FB7] =	sst s9;
	s0 =	simm.s32 @!p0 $0x0  }
0x12: {  	s1 =	sld [smem:$0x3F9D];
	s0 =	simm.s32 @p0 $0x1  }
0x13: {  	[smem:$0x3FB8] =	sst s0;
	s0 =	simm.s32 @!p1 $0x0  }
0x14: {  	s2 =	sld [smem:$0x3F9C];
	s0 =	simm.s32 @p1 $0x1  }
0x15: {  	[smem:$0x3FB9] =	sst s0;
	s0 =	simm.s32 @!p2 $0x0  }
0x16: {  	s3 =	sld [smem:$0x3FDB];
	s0 =	simm.s32 @p2 $0x1  }
0x17: {  	s4 =	simm.s32 $0x1BF5;
	[smem:$0x3FBB] =	sst s0  }
0x18: {  	s0 =	sld [smem:$0x3F9E];
	_ =	swait.ge [sflag:s4], $0x0  }
0x19: {  	s7 =	sld [smem:$0x3F9F]  }
0x1a: {  	s8 =	sadd.s32 $0xFFFFE003, lr  }
0x1b: {  	s9 =	sadd.s32 $0xFFFFFEF7, lr;
	s5 =	simm.s32 $0xFFFFFFFF;
	p2 =	slt.u32 s8, $0xFFFFF086  }
0x1c: {  	p1 =	slt.u32 s9, $0xF7A;
	s5 =	simm.s32 @!p2 $0x0  }
0x1d: {  	s5 =	simm.s32 @p1 $0x1;
	p0 =	seq.s32 s7, s2  }
0x1e: {  	s7 =	smul.u32 @!p0 $0xF7A, s2;
	p2 =	seq.s32 @!p0 s5, $0x0  }
0x1f: {  	s9 =	smul.u32 $0xF7A, s1;
	s8 =	simm.s32 @!p0 $0x1BF5;
	p2 =	por !p2, p0  }
0x20: {  	[sflag:s8] =	ssyncset.s32 @!p0 $0xFFFFF086;
	s6 =	sadd.s32 @!p0 s3, s7;
	s7 =	simm.s32 @!p0 $0x108  }
0x21: {  	s3 =	sadd.s32 s3, s9;
	s6 =	sadd.s32 @!p0 $0x88, s6;
	s7 =	simm.s32 @p2 $0x1082  }
0x22: {  	[simem:s7], [sflag:s8] =	dma.local @!p0 [hbm:s6], $0xF7A  }
0x23: {  	s9 =	sor.u32 $0xD0000000, s2;
	s6 =	simm.s32 $0x108;
	_ =	swait.ge @!p0 [sflag:s8], $0x0  }
0x24: {  	s3 =	sadd.s32 $0x88, s3;
	s6 =	simm.s32 @!p1 $0x1082;
	[sflag:s4] =	ssyncset.s32 $0xFFFFF086  }
0x25: {  	[simem:s6], [sflag:s4] =	dma.local [hbm:s3], $0xF7A  }
0x26: {  	[smem:$0x3F9F] =	sst s1;
	(tag) =	ssettag s2;
	_ =	strace s9  }
0x27: {  	s1 =	sld [smem:$0x3FAF]  }
0x28: {  	s2 =	sld [smem:$0x3FB0]  }
0x29: {  	s4 =	sld [smem:$0x3FB2]  }
0x2a: {  	p0 =	seq.s32 s5, $0x0;
	s5 =	sld [smem:$0x3FB3]  }
0x2b: {  	s6 =	sld [smem:$0x3FB4]  }
0x2c: {  	s7 =	sld [smem:$0x3FB5]  }
0x2d: {  	s3 =	simm.s32 $0x108;
	s8 =	sld [smem:$0x3FB6]  }
0x2e: {  	s3 =	simm.s32 @!p0 $0x1082;
	s9 =	sld [smem:$0x3FB7]  }
0x2f: {  	lr =	sadd.s32 s0, s3;
	s0 =	sld [smem:$0x3FAE]  }
0x30: {  	s3 =	sld [smem:$0x3FB1]  }
0x31: {  	[smem:$0x3FBA] =	sst s10  }
0x32: {  	s10 =	sld [smem:$0x3FB8];
	_ =	sdelay $0x3  }
0x33: {  	p0 =	seq.s32 s10, $0x1;
	s10 =	sld [smem:$0x3FBA];
	_ =	sdelay $0x3  }
0x34: {  	[smem:$0x3FBA] =	sst s10  }
0x35: {  	s10 =	sld [smem:$0x3FB9];
	_ =	sdelay $0x3  }
0x36: {  	p1 =	seq.s32 s10, $0x1;
	s10 =	sld [smem:$0x3FBA];
	_ =	sdelay $0x3  }
0x37: {  	[smem:$0x3FBA] =	sst s10  }
0x38: {  	s10 =	sld [smem:$0x3FBB]  }
0x39: {  	_ = 	snop;
	(pc) =	sbr.ind lr, $3  }
0x3a: {  	_ = 	snop  }
0x3b: {  	_ = 	snop  }
0x3c: {  	p2 =	seq.s32 s10, $0x1;
	s10 =	sld [smem:$0x3FBA]  }
0x3d: {  	_ =	shalt  }
0x3e: {  	_ =	shalt  }
0x3f: {  	_ =	shalt  }
0x40: {  	_ =	shalt  }
0x41: {  	_ =	shalt  }
0x42: {  	_ =	shalt  }
0x43: {  	_ =	shalt  }
0x44: {  	_ =	shalt  }
0x45: {  	_ =	shalt  }
0x46: {  	_ =	shalt  }
0x47: {  	_ =	shalt  }
0x48: {  	_ =	shalt  }
0x49: {  	_ =	shalt  }
0x4a: {  	_ =	shalt  }
0x4b: {  	_ =	shalt  }
0x4c: {  	_ =	shalt  }
0x4d: {  	_ =	shalt  }
0x4e: {  	_ =	shalt  }
0x4f: {  	_ =	shalt  }
0x50: {  	_ =	shalt  }
0x51: {  	_ =	shalt  }
0x52: {  	_ =	shalt  }
0x53: {  	_ =	shalt  }
0x54: {  	_ =	shalt  }
0x55: {  	_ =	shalt  }
0x56: {  	_ =	shalt  }
0x57: {  	_ =	shalt  }
0x58: {  	_ =	shalt  }
0x59: {  	_ =	shalt  }
0x5a: {  	_ =	shalt  }
0x5b: {  	_ =	shalt  }
0x5c: {  	_ =	shalt  }
0x5d: {  	_ =	shalt  }
0x5e: {  	_ =	shalt  }
0x5f: {  	_ =	shalt  }
0x60: {  	_ =	shalt  }
0x61: {  	_ =	shalt  }
0x62: {  	_ =	shalt  }
0x63: {  	_ =	shalt  }
0x64: {  	_ =	shalt  }
0x65: {  	_ =	shalt  }
0x66: {  	_ =	shalt  }
0x67: {  	_ =	shalt  }
0x68: {  	_ =	shalt  }
0x69: {  	_ =	shalt  }
0x6a: {  	_ =	shalt  }
0x6b: {  	_ =	shalt  }
0x6c: {  	_ =	shalt  }
0x6d: {  	_ =	shalt  }
0x6e: {  	_ =	shalt  }
0x6f: {  	_ =	shalt  }
0x70: {  	_ =	shalt  }
0x71: {  	_ =	shalt  }
0x72: {  	_ =	shalt  }
0x73: {  	_ =	shalt  }
0x74: {  	_ =	shalt  }
0x75: {  	_ =	shalt  }
0x76: {  	_ =	shalt  }
0x77: {  	_ =	shalt  }
0x78: {  	_ =	shalt  }
0x79: {  	_ =	shalt  }
0x7a: {  	_ =	shalt  }
0x7b: {  	_ =	shalt  }
0x7c: {  	_ =	shalt  }
0x7d: {  	_ =	shalt  }
0x7e: {  	_ =	shalt  }
0x7f: {  	_ =	shalt  }
0x80: {  	_ =	shalt  }
0x81: {  	_ =	shalt  }
0x82: {  	_ =	shalt  }
0x83: {  	_ =	shalt  }
0x84: {  	_ =	shalt  }
0x85: {  	_ =	shalt  }
0x86: {  	_ =	shalt  }
0x87: {  	_ =	shalt  }
.Lfunc_end0:
.L_simem_size_0:
called_computation_lowered:
.L_overlay_start_0:
0x88: {  	s2 =	sld [smem:$0x3FD9]  }
0x89: {  	s3 =	sld [smem:$0x3FFE];
	_ =	sdelay $0x1  }
0x8a: {  	s1 =	srdreg.scid  }
0x8b: {  	s0 =	sand.u32 $0x1, s1  }
0x8c: {  	s14 =	sshll.u32 s0, $0xA;
	s2 =	sadd.s32 s3, s2  }
0x8d: {  	s2 =	sadd.s32 s2, s14  }
0x8e: {  	[smem:$0x3FC6] =	sst s2  }
0x8f: {  	_ = 	snop  }
0x90: {  	s2 =	sld [smem:$0x3FD0];
	_ =	sdelay $0x2  }
0x91: {  	s4 =	simm.s32 $0xA;
	s5 =	simm.s32 $0x10;
	s15 =	sld [smem:$0x3FC9]  }
0x92: {  	[smem:s5], [sflag:s4] =	dma.local [hbm:s2], $0x1  }
0x93: {  	_ =	swait.eq [sflag:s4], $0x1  }
0x94: {  	[sflag:s4] =	ssyncset.done $0x0  }
0x95: {  	s16 =	sld [smem:$0x10];
	[sflag:s4] =	ssyncadd.s32 $0xFFFFFFFF  }
0x96: {  	s17 =	sld [smem:$0x11];
	(tm) =	ssettm $0x1  }
0x97: {  	s18 =	sld [smem:$0x3FFB];
	_ =	sdelay $0x3  }
0x98: {  	_ =	strace s18  }
0x99: {  	s5 =	sld [smem:$0x3FFC];
	_ =	sdelay $0x3  }
0x9a: {  	_ =	strace s5  }
0x9b: {  	s5 =	sld [smem:$0x3FFD];
	_ =	sdelay $0x3  }
0x9c: {  	_ =	strace s5  }
0x9d: {  	_ =	strace $0x8FFFFFFF  }
0x9e: {  	s19 =	sld [smem:$0x3FDB];
	_ =	sdelay $0x1  }
0x9f: {  	s6 =	simm.s32 $_scs_section_size  }
0xa0: {  	s7 =	simm.s32 $_size__tile_overlayer_lowered;
	s8 =	simm.s32 $_tile_overlayer_lowered  }
0xa1: {  	s22 =	simm.s32 $0x1BFF;
	s21 =	sshll.u32 s8, $0x1;
	s5 =	sadd.s32 s6, s19  }
0xa2: {  	s9 =	simm.s32 $0x0;
	s20 =	sshll.u32 s7, $0x1;
	s7 =	sadd.s32 s21, s5  }
0xa3: {  	[timem:s9], [sflag:s22] =	dma.local [hbm:s7], s20  }
0xa4: {  	_ =	swait.ge [sflag:s22], s20  }
0xa5: {  	s6 =	ssub.s32 $0x0, s20;
	[sflag:s22] =	ssyncset.done $0x0  }
0xa6: {  	[sflag:s22] =	ssyncadd.s32 s6;
	_ =	sdelay $0x1  }
0xa7: {  	s23 =	simm.s32 $0x1B8B  }
0xa8: {  	_ =	swait.ge [sflag:s23], $0x1  }
0xa9: {  	[sflag:s23] =	ssyncset.done $0x0  }
0xaa: {  	s25 =	simm.s32 $0x1B8E;
	s24 =	sld [smem:$0x3FFE];
	[sflag:s23] =	ssyncadd.s32 $0xFFFFFFFF  }
0xab: {  	s26 =	simm.s32 $execute0_lowered;
	[smem:$0x3FD2] =	sst s25  }
0xac: {  	s7 =	sshll.u32 s26, $0x1;
	_ =	strace $0x80000046;
	[dreg:$0x1] =	wrdreg $0xFFFFFFFF  }
0xad: {  	s28 =	simm.s32 $_size_execute0_lowered;
	s5 =	sadd.s32 s5, s7;
	[dreg:$0x0] =	wrdreg $0x0  }
0xae: {  	s7 =	sshll.u32 s28, $0x1;
	[dreg:$0x2] =	wrdreg s5  }
0xaf: {  	[dreg:$0x3] =	wrdreg s7  }
0xb0: {  	[dreg:$0x4] =	wrdreg $0xC0  }
0xb1: {  	_ =	task [dreg:s9], $0x5FFFF  }
0xb2: {  	[dreg:$0x1] =	wrdreg $0xFFFFFFFF  }
0xb3: {  	[dreg:$0x0] =	wrdreg $0x60  }
0xb4: {  	[dreg:$0x2] =	wrdreg s15  }
0xb5: {  	[dreg:$0x3] =	wrdreg s17  }
0xb6: {  	[dreg:$0x4] =	wrdreg s16  }
0xb7: {  	[dreg:$0x5] =	wrdreg s24  }
0xb8: {  	[dreg:$0x6] =	wrdreg $0x9  }
0xb9: {  	_ =	task.clear_ibuf [dreg:s9], $0x7FFFF;
	_ =	strace $0x90000046  }
0xba: {  	s29 =	simm.s32 $0x9;
	_ =	strace $0x80000048  }
0xbb: {  	_ =	swait.ge [sflag:s29], $0x1  }
0xbc: {  	[sflag:s29] =	ssyncadd.s32 $0xFFFFFFFF  }
0xbd: {  	_ =	strace $0x90000048  }
0xbe: {  	_ =	sfence  }
0xbf: {  	s30 =	sld [smem:$0x0];
	_ =	sdelay $0x2  }
0xc0: {  	s31 =	sshll.u32 s1, $0xD;
	s1 =	sshrl.u32 s1, $0x2  }
0xc1: {  	s3 =	sand.u32 $0x4000, s31;
	s1 =	sadd.s32 s1, s30  }
0xc2: {  	s0 =	sor.u32 s3, s0;
	s1 =	sshll.u32 s1, $0x11  }
0xc3: {  	s0 =	sor.u32 s1, s0  }
0xc4: {  	s0 =	sadd.s32 $0x8F2B, s0  }
0xc5: {  	[sflag:s0] =	ssyncadd.remote.s32 $0x1  }
0xc6: {  	_ =	sfence.sel $0xFFFF  }
0xc7: {  	[dreg:$0x0] =	wrdreg $0xFFFFFFFF;
	(pc) =	sbr.abs _section_cstart, $3  }
0xc8: {  	[dreg:$0x1] =	wrdreg $0xFFFFFFFF  }
0xc9: {  	_ =	task.clear_ibuf [dreg:s9], $0x2FFFF;
	_ =	strace $0x9FFFFFFF  }
0xca: {  	(tm) =	ssettm $0x7FFFFFFF  }
0xcb: {  	_ =	shalt  }
tec
execute0_lowered:
.L_overlay_start_1:
0x0: {  	(tag) =	ssettag $0x1  }
0x1: {  	s1 =	rddreg [dreg:$0x0]  }
0x2: {  	s0 =	rddreg [dreg:$0x1]  }
0x3: {  	s2 =	rddreg [dreg:$0x2]  }
0x4: {  	s21 =	rddreg [dreg:$0x3];
	s3 =	srdreg.scid  }
0x5: {  	s6 =	stileid.u32;
	s23 =	simm.s32 $0x7;
	s31 =	simm.s32 $0x880  }
0x6: {  	s25 =	simm.s32 $0x1;
	s4 =	sand.u32 $0x1, s3;
	s3 =	simm.s32 $0x0  }
0x7: {  	s6 =	sshll.u32 s6, $0x7;
	s9 =	sadd.s32 $0x200, s1;
	s10 =	sadd.s32 $0x300, s1  }
0x8: {  	s11 =	sadd.s32 $0x400, s1;
	s12 =	sadd.s32 $0x500, s1;
	s13 =	sadd.s32 $0x600, s1  }
0x9: {  	s14 =	sadd.s32 $0x700, s1;
	s15 =	sadd.s32 $0x1B00, s21;
	s16 =	sadd.s32 $0x1C00, s21  }
0xa: {  	s17 =	sadd.s32 $0x1D00, s21;
	s18 =	sadd.s32 $0x1E00, s21;
	s19 =	sadd.s32 $0x1F00, s21  }
0xb: {  	s20 =	sadd.s32 $0x2000, s21;
	s5 =	sshll.u32 s4, $0xB;
	[smem:$0x7FF] =	sst s3  }
0xc: {  	s26 =	ssub.s32 $0x2, s4;
	s4 =	sadd.s32 $0x1A00, s21;
	s6 =	sor.u32 s6, s5  }
.Ltmp0:
0xd: {  	_ =	strace $0x80000047;
	s7 =	sshrl.u32 s26, $0x1;
	(pc) =	sbr.rel .LBB2_1-.Ltmp0, $4  }
0xe: {  	s28 =	sshrl.u32 s6, $0x3;
	s22 =	ssub.s32 s26, s7;
	s0 =	sadd.s32 s0, s6  }
0xf: {  	v0 =	vlaneseq.u32;
	s29 =	sadd.s32 s2, s6;
	s8 =	sadd.s32 s28, s21;
	[dreg:$0x5] =	wrdreg s0  }
0x10: {  	v1 =	vshrl.u32 v0, $0x3;
	[dreg:$0x6] =	wrdreg s29;
	s21 =	sadd.s32 $0x2100, s21;
	s30 =	sadd.s32 $0x1800, s8  }
0x11: {  	vm0 =	vmmov $0xffff;
	v0 =	vand.u32 $0x7, v0;
	v1 =	vmul.u32 $0x8, v1;
	s22 =	smax.u32 s22, $0x1;
	s8 =	sadd.s32 $0x100, s1;
	[dreg:$0x7] =	wrdreg s30  }
.LBB2_16:
0x12: {  	s28 =	simm.s32 $0x4  }
0x13: {  	_ =	swait.ge [sflag:s28], $0x4000  }
0x14: {  	[sflag:s28] =	ssyncset.done $0x0  }
0x15: {  	[sflag:s28] =	ssyncadd.s32 $0xFFFFC000  }
0x16: {  	v2 =	vld.msk [tilespmem:$0x700], $0xff;
	_ =	sdelay $0x4  }
0x17: {  	v3 =	vshll.u32 v2, $0x4  }
0x18: {  	v2 =	vand.u32 $0x7, v2;
	v3 =	vand.u32 $0xFFFFFF80, v3  }
0x19: {  	v2 =	vor.u32 v2, v3  }
0x1a: {  	v2 =	vperm.xlane v2, v0;
	_ =	sdelay $0x1  }
0x1b: {  	v2 =	vadd.s32 v1, v2;
	_ =	sdelay $0x4  }
0x1c: {  	[tilespmem:s31], [sflag:$0x1] =	stream.indirect_vreg.gather [hbm4b:s1+s3], $0x80, v2, vm0, $0xb8;
	[tilespmem:$0xC880] =	vst v63  }
0x1d: {  	_ = 	snop  }
0x1e: {  	[tilespmem:s0], [sflag:$0x1] =	stream.indirect_vreg.gather [hbm4b:s8+s3], $0x80, v2, vm0, $0xb8;
	[tilespmem:$0xC880] =	vst v63  }
0x1f: {  	_ = 	snop  }
0x20: {  	[tilespmem:s2], [sflag:$0x1] =	stream.indirect_vreg.gather [hbm4b:s9+s3], $0x80, v2, vm0, $0xb8;
	[tilespmem:$0xC880] =	vst v63  }
0x21: {  	_ = 	snop  }
0x22: {  	[tilespmem:s24], [sflag:$0x1] =	stream.indirect_vreg.gather [hbm4b:s10+s3], $0x80, v2, vm0, $0xb8;
	[tilespmem:$0xC880] =	vst v63  }
0x23: {  	_ = 	snop  }
0x24: {  	[tilespmem:s5], [sflag:$0x1] =	stream.indirect_vreg.gather [hbm4b:s11+s3], $0x80, v2, vm0, $0xb8;
	[tilespmem:$0xC880] =	vst v63  }
0x25: {  	_ = 	snop  }
0x26: {  	[tilespmem:s6], [sflag:$0x1] =	stream.indirect_vreg.gather [hbm4b:s12+s3], $0x80, v2, vm0, $0xb8;
	[tilespmem:$0xC880] =	vst v63  }
0x27: {  	_ = 	snop  }
0x28: {  	[tilespmem:s7], [sflag:$0x1] =	stream.indirect_vreg.gather [hbm4b:s13+s3], $0x80, v2, vm0, $0xb8;
	[tilespmem:$0xC880] =	vst v63  }
0x29: {  	_ = 	snop  }
0x2a: {  	[tilespmem:s26], [sflag:$0x1] =	stream.indirect_vreg.gather [hbm4b:s14+s3], $0x80, v2, vm0, $0xb8;
	[tilespmem:$0xC880] =	vst v63  }
.LBB2_18:
0x2b: {  	s0 =	simm.s32 $0x3  }
0x2c: {  	_ =	swait.ge [sflag:s0], $0x4000  }
0x2d: {  	[sflag:s0] =	ssyncset.done $0x0  }
0x2e: {  	[sflag:s0] =	ssyncadd.s32 $0xFFFFC000  }
0x2f: {  	v2 =	vld.msk [tilespmem:$0x280], $0xff;
	_ =	sdelay $0x4  }
0x30: {  	v3 =	vshll.u32 v2, $0x4  }
0x31: {  	v2 =	vand.u32 $0x7, v2;
	v3 =	vand.u32 $0xFFFFFF80, v3  }
0x32: {  	v2 =	vor.u32 v2, v3  }
0x33: {  	v2 =	vperm.xlane v2, v0;
	_ =	sdelay $0x1  }
0x34: {  	v2 =	vadd.s32 v1, v2;
	_ =	sdelay $0x3  }
0x35: {  	s5 =	simm.s32 $0x8880  }
0x36: {  	[hbm4b:s4+s3] =	stream.indirect_vreg.scatter [tilespmem:s5], [sflag:$0x6], $0x80, v2, vm0, $0xb8;
	[tilespmem:$0xC880] =	vst v63  }
0x37: {  	s6 =	simm.s32 $0x9080  }
0x38: {  	[hbm4b:s15+s3] =	stream.indirect_vreg.scatter [tilespmem:s6], [sflag:$0x6], $0x80, v2, vm0, $0xb8;
	[tilespmem:$0xC880] =	vst v63  }
0x39: {  	s7 =	simm.s32 $0x9880  }
0x3a: {  	[hbm4b:s16+s3] =	stream.indirect_vreg.scatter [tilespmem:s7], [sflag:$0x6], $0x80, v2, vm0, $0xb8;
	[tilespmem:$0xC880] =	vst v63  }
0x3b: {  	s24 =	simm.s32 $0xA080  }
0x3c: {  	[hbm4b:s17+s3] =	stream.indirect_vreg.scatter [tilespmem:s24], [sflag:$0x6], $0x80, v2, vm0, $0xb8;
	[tilespmem:$0xC880] =	vst v63  }
0x3d: {  	s26 =	simm.s32 $0xA880  }
0x3e: {  	[hbm4b:s18+s3] =	stream.indirect_vreg.scatter [tilespmem:s26], [sflag:$0x6], $0x80, v2, vm0, $0xb8;
	[tilespmem:$0xC880] =	vst v63  }
0x3f: {  	s28 =	simm.s32 $0xB080  }
0x40: {  	[hbm4b:s19+s3] =	stream.indirect_vreg.scatter [tilespmem:s28], [sflag:$0x6], $0x80, v2, vm0, $0xb8;
	[tilespmem:$0xC880] =	vst v63  }
0x41: {  	s29 =	simm.s32 $0xB880  }
0x42: {  	[hbm4b:s20+s3] =	stream.indirect_vreg.scatter [tilespmem:s29], [sflag:$0x6], $0x80, v2, vm0, $0xb8;
	[tilespmem:$0xC880] =	vst v63  }
0x43: {  	s30 =	simm.s32 $0xC080;
	s29 =	simm.s32 @!p0 $0x1  }
0x44: {  	[hbm4b:s21+s3] =	stream.indirect_vreg.scatter [tilespmem:s30], [sflag:$0x6], $0x80, v2, vm0, $0xb8;
	[tilespmem:$0xC880] =	vst v63  }
0x45: {  	_ =	swait.ge @!p0 [sflag:s29], $0x4000  }
0x46: {  	[sflag:s29] =	ssyncset.done @!p0 $0x0  }
0x47: {  	[sflag:s29] =	ssyncadd.s32 @!p0 $0xFFFFC000  }
0x48: {  	v2 =	vld.msk @!p0 [tilespmem:$0x300], $0xff;
	_ =	sdelay $0x4  }
0x49: {  	v3 =	vshll.u32 @!p0 v2, $0x4  }
0x4a: {  	v4 =	vlaneseq.u32 @!p0;
	v2 =	vand.u32 @!p0 $0x7, v2;
	v3 =	vand.u32 @!p0 $0xFFFFFF80, v3  }
0x4b: {  	v2 =	vor.u32 @!p0 v2, v3;
	v3 =	vand.u32 @!p0 $0x7, v4;
	v4 =	vshrl.u32 @!p0 v4, $0x3  }
0x4c: {  	v2 =	vperm.xlane @!p0 v2, v3;
	v3 =	vmul.u32 @!p0 $0x8, v4;
	_ =	sdelay $0x1  }
0x4d: {  	v2 =	vadd.s32 @!p0 v3, v2;
	_ =	sdelay $0x3  }
0x4e: {  	vm1 =	vmmov @!p0 $0xffff;
	s30 =	simm.s32 @!p0 $0x880;
	s29 =	simm.s32 @!p0 $0x0  }
0x4f: {  	[hbm4b:s4+s29] =	stream.indirect_vreg.scatter @!p0 [tilespmem:s30], [sflag:$0x4], $0x80, v2, vm1, $0xb8;
	[tilespmem:$0xC880] =	vst v63  }
0x50: {  	s30 =	simm.s32 @!p0 $0x1080  }
0x51: {  	[hbm4b:s15+s29] =	stream.indirect_vreg.scatter @!p0 [tilespmem:s30], [sflag:$0x4], $0x80, v2, vm1, $0xb8;
	[tilespmem:$0xC880] =	vst v63  }
0x52: {  	s30 =	simm.s32 @!p0 $0x1880  }
0x53: {  	[hbm4b:s16+s29] =	stream.indirect_vreg.scatter @!p0 [tilespmem:s30], [sflag:$0x4], $0x80, v2, vm1, $0xb8;
	[tilespmem:$0xC880] =	vst v63  }
0x54: {  	s30 =	simm.s32 @!p0 $0x2080  }
0x55: {  	[hbm4b:s17+s29] =	stream.indirect_vreg.scatter @!p0 [tilespmem:s30], [sflag:$0x4], $0x80, v2, vm1, $0xb8;
	[tilespmem:$0xC880] =	vst v63  }
0x56: {  	s30 =	simm.s32 @!p0 $0x2880  }
0x57: {  	[hbm4b:s18+s29] =	stream.indirect_vreg.scatter @!p0 [tilespmem:s30], [sflag:$0x4], $0x80, v2, vm1, $0xb8;
	[tilespmem:$0xC880] =	vst v63  }
0x58: {  	s30 =	simm.s32 @!p0 $0x3080  }
0x59: {  	[hbm4b:s19+s29] =	stream.indirect_vreg.scatter @!p0 [tilespmem:s30], [sflag:$0x4], $0x80, v2, vm1, $0xb8;
	[tilespmem:$0xC880] =	vst v63  }
0x5a: {  	s30 =	simm.s32 @!p0 $0x3880  }
0x5b: {  	[hbm4b:s20+s29] =	stream.indirect_vreg.scatter @!p0 [tilespmem:s30], [sflag:$0x4], $0x80, v2, vm1, $0xb8;
	[tilespmem:$0xC880] =	vst v63  }
0x5c: {  	s30 =	simm.s32 @!p0 $0x4080  }
0x5d: {  	[hbm4b:s21+s29] =	stream.indirect_vreg.scatter @!p0 [tilespmem:s30], [sflag:$0x4], $0x80, v2, vm1, $0xb8;
	[tilespmem:$0xC880] =	vst v63  }
.LBB2_19:
0x5e: {  	s0 =	simm.s32 $0x4  }
0x5f: {  	_ =	swait.ge [sflag:s0], $0x4000  }
0x60: {  	[sflag:s0] =	ssyncset.done $0x0  }
0x61: {  	s30 =	simm.s32 $0x6;
	s29 =	simm.s32 $0x5;
	[sflag:s0] =	ssyncadd.s32 $0xFFFFC000  }
.LBB2_20:
0x62: {  	_ =	swait.ge [sflag:s29], $0x4000  }
0x63: {  	[sflag:s29] =	ssyncset.done $0x0  }
0x64: {  	[sflag:s29] =	ssyncadd.s32 $0xFFFFC000  }
.LBB2_21:
0x65: {  	_ =	swait.ge [sflag:s30], $0x4000  }
0x66: {  	[sflag:s30] =	ssyncset.done $0x0  }
0x67: {  	[sflag:s30] =	ssyncadd.s32 $0xFFFFC000  }
.LBB2_22:
0x68: {  	s22 =	sadd.s32 $0xFFFFFFFF, s22  }
0x69: {  	p0 =	sne.s32 s22, $0x0  }
.Ltmp1:
0x6a: {  	_ = 	snop;
	(pc) =	sbr.rel @!p0 .LBB2_23-.Ltmp1, $1  }
0x6b: {  	_ =	sdelay $0x3  }
.LBB2_1:
0x6c: {  	s0 =	rddreg [dreg:$0x5]  }
0x6d: {  	[tilespmem:s3], [sflag:$0x7] =	stream.linear.gather [hbm4b:s0+s3], $0x380, $0x38;
	[tilespmem:$0xC880] =	vst v63  }
0x6e: {  	_ =	swait.ge [sflag:s23], $0x380  }
0x6f: {  	[sflag:s23] =	ssyncset.done $0x0  }
0x70: {  	s29 =	simm.s32 $0x400;
	s28 =	rddreg [dreg:$0x6];
	[sflag:s23] =	ssyncadd.s32 $0xFFFFFC80  }
0x71: {  	[tilespmem:s29], [sflag:$0x7] =	stream.linear.gather [hbm4b:s28+s3], $0x380, $0x38;
	[tilespmem:$0xC880] =	vst v63  }
0x72: {  	_ =	swait.ge [sflag:s23], $0x380  }
0x73: {  	[sflag:s23] =	ssyncset.done $0x0  }
0x74: {  	s29 =	simm.s32 $0x800;
	s30 =	rddreg [dreg:$0x7];
	[sflag:s23] =	ssyncadd.s32 $0xFFFFFC80  }
0x75: {  	[tilespmem:s29], [sflag:$0x7] =	stream.linear.gather [hbm4b:s30+s3], $0x80, $0x38;
	[tilespmem:$0xC880] =	vst v63  }
0x76: {  	_ =	swait.ge [sflag:s23], $0x80  }
0x77: {  	[sflag:s23] =	ssyncset.done $0x0  }
0x78: {  	[sflag:s23] =	ssyncadd.s32 $0xFFFFFF80  }
0x79: {  	v2 =	vld [tilespmem:$0x800];
	_ =	sdelay $0x4  }
0x7a: {  	(v2sf) =	vpush v2, $0x0;
	_ =	sdelay $0xe  }
0x7b: {  	s29 =	spop (v2sf)  }
0x7c: {  	p0 =	slt.s32 s29, $0x1  }
.Ltmp2:
0x7d: {  	_ = 	snop;
	(pc) =	sbr.rel @p0 .LBB2_22-.Ltmp2, $1  }
0x7e: {  	_ =	sdelay $0x3  }
0x7f: {  	v2 =	vld.msk [tilespmem:$0x400], $0xff;
	_ =	sdelay $0x4  }
0x80: {  	v3 =	vshll.u32 v2, $0x4  }
0x81: {  	v2 =	vand.u32 $0x7, v2;
	v3 =	vand.u32 $0xFFFFFF80, v3  }
0x82: {  	v2 =	vor.u32 v2, v3  }
0x83: {  	v2 =	vperm.xlane v2, v0;
	_ =	sdelay $0x1  }
0x84: {  	v2 =	vadd.s32 v1, v2;
	_ =	sdelay $0x4  }
0x85: {  	[tilespmem:s31], [sflag:$0x1] =	stream.indirect_vreg.gather [hbm4b:s1+s3], $0x80, v2, vm0, $0xb8;
	[tilespmem:$0xC880] =	vst v63  }
0x86: {  	s2 =	simm.s32 $0x1080  }
0x87: {  	[tilespmem:s2], [sflag:$0x1] =	stream.indirect_vreg.gather [hbm4b:s8+s3], $0x80, v2, vm0, $0xb8;
	[tilespmem:$0xC880] =	vst v63  }
0x88: {  	s24 =	simm.s32 $0x1880  }
0x89: {  	[tilespmem:s24], [sflag:$0x1] =	stream.indirect_vreg.gather [hbm4b:s9+s3], $0x80, v2, vm0, $0xb8;
	[tilespmem:$0xC880] =	vst v63  }
0x8a: {  	s5 =	simm.s32 $0x2080  }
0x8b: {  	[tilespmem:s5], [sflag:$0x1] =	stream.indirect_vreg.gather [hbm4b:s10+s3], $0x80, v2, vm0, $0xb8;
	[tilespmem:$0xC880] =	vst v63  }
0x8c: {  	s6 =	simm.s32 $0x2880  }
0x8d: {  	[tilespmem:s6], [sflag:$0x1] =	stream.indirect_vreg.gather [hbm4b:s11+s3], $0x80, v2, vm0, $0xb8;
	[tilespmem:$0xC880] =	vst v63  }
0x8e: {  	s7 =	simm.s32 $0x3080  }
0x8f: {  	[tilespmem:s7], [sflag:$0x1] =	stream.indirect_vreg.gather [hbm4b:s12+s3], $0x80, v2, vm0, $0xb8;
	[tilespmem:$0xC880] =	vst v63  }
0x90: {  	s26 =	simm.s32 $0x3880  }
0x91: {  	[tilespmem:s26], [sflag:$0x1] =	stream.indirect_vreg.gather [hbm4b:s13+s3], $0x80, v2, vm0, $0xb8;
	[tilespmem:$0xC880] =	vst v63  }
0x92: {  	s28 =	simm.s32 $0x4080;
	p0 =	seq.s32 s29, $0x1  }
0x93: {  	[tilespmem:s28], [sflag:$0x1] =	stream.indirect_vreg.gather [hbm4b:s14+s3], $0x80, v2, vm0, $0xb8;
	[tilespmem:$0xC880] =	vst v63  }
0x94: {  	v2 =	vld.msk @!p0 [tilespmem:$0x480], $0xff;
	_ =	sdelay $0x4  }
0x95: {  	v3 =	vshll.u32 @!p0 v2, $0x4  }
0x96: {  	v4 =	vlaneseq.u32 @!p0;
	v2 =	vand.u32 @!p0 $0x7, v2;
	v3 =	vand.u32 @!p0 $0xFFFFFF80, v3  }
0x97: {  	v2 =	vor.u32 @!p0 v2, v3;
	v3 =	vand.u32 @!p0 $0x7, v4;
	v4 =	vshrl.u32 @!p0 v4, $0x3  }
0x98: {  	v2 =	vperm.xlane @!p0 v2, v3;
	v3 =	vmul.u32 @!p0 $0x8, v4;
	_ =	sdelay $0x1  }
0x99: {  	v2 =	vadd.s32 @!p0 v3, v2;
	_ =	sdelay $0x3  }
0x9a: {  	vm1 =	vmmov @!p0 $0xffff;
	s30 =	simm.s32 @!p0 $0x0;
	s31 =	simm.s32 @!p0 $0x4880  }
0x9b: {  	[tilespmem:s31], [sflag:$0x2] =	stream.indirect_vreg.gather @!p0 [hbm4b:s1+s30], $0x80, v2, vm1, $0xb8;
	[tilespmem:$0xC880] =	vst v63  }
0x9c: {  	s31 =	simm.s32 @!p0 $0x5080  }
0x9d: {  	[tilespmem:s31], [sflag:$0x2] =	stream.indirect_vreg.gather @!p0 [hbm4b:s8+s30], $0x80, v2, vm1, $0xb8;
	[tilespmem:$0xC880] =	vst v63  }
0x9e: {  	s31 =	simm.s32 @!p0 $0x5880  }
0x9f: {  	[tilespmem:s31], [sflag:$0x2] =	stream.indirect_vreg.gather @!p0 [hbm4b:s9+s30], $0x80, v2, vm1, $0xb8;
	[tilespmem:$0xC880] =	vst v63  }
0xa0: {  	s31 =	simm.s32 @!p0 $0x6080  }
0xa1: {  	[tilespmem:s31], [sflag:$0x2] =	stream.indirect_vreg.gather @!p0 [hbm4b:s10+s30], $0x80, v2, vm1, $0xb8;
	[tilespmem:$0xC880] =	vst v63  }
0xa2: {  	s31 =	simm.s32 @!p0 $0x6880  }
0xa3: {  	[tilespmem:s31], [sflag:$0x2] =	stream.indirect_vreg.gather @!p0 [hbm4b:s11+s30], $0x80, v2, vm1, $0xb8;
	[tilespmem:$0xC880] =	vst v63  }
0xa4: {  	s31 =	simm.s32 @!p0 $0x7080  }
0xa5: {  	[tilespmem:s31], [sflag:$0x2] =	stream.indirect_vreg.gather @!p0 [hbm4b:s12+s30], $0x80, v2, vm1, $0xb8;
	[tilespmem:$0xC880] =	vst v63  }
0xa6: {  	s31 =	simm.s32 @!p0 $0x7880  }
0xa7: {  	[tilespmem:s31], [sflag:$0x2] =	stream.indirect_vreg.gather @!p0 [hbm4b:s13+s30], $0x80, v2, vm1, $0xb8;
	[tilespmem:$0xC880] =	vst v63  }
0xa8: {  	s31 =	simm.s32 @!p0 $0x8080  }
0xa9: {  	[tilespmem:s31], [sflag:$0x2] =	stream.indirect_vreg.gather @!p0 [hbm4b:s14+s30], $0x80, v2, vm1, $0xb8;
	[tilespmem:$0xC880] =	vst v63  }
0xaa: {  	_ =	swait.ge [sflag:s25], $0x4000  }
0xab: {  	[sflag:s25] =	ssyncset.done $0x0  }
0xac: {  	[sflag:s25] =	ssyncadd.s32 $0xFFFFC000  }
0xad: {  	v2 =	vld.msk [tilespmem:$0x0], $0xff;
	_ =	sdelay $0x4  }
0xae: {  	v3 =	vshll.u32 v2, $0x4  }
0xaf: {  	v2 =	vand.u32 $0x7, v2;
	v3 =	vand.u32 $0xFFFFFF80, v3  }
0xb0: {  	v2 =	vor.u32 v2, v3  }
0xb1: {  	v2 =	vperm.xlane v2, v0;
	_ =	sdelay $0x1  }
0xb2: {  	v2 =	vadd.s32 v1, v2;
	_ =	sdelay $0x3  }
0xb3: {  	s31 =	simm.s32 $0x880  }
0xb4: {  	[hbm4b:s4+s3] =	stream.indirect_vreg.scatter [tilespmem:s31], [sflag:$0x4], $0x80, v2, vm0, $0xb8;
	[tilespmem:$0xC880] =	vst v63  }
0xb5: {  	_ = 	snop  }
0xb6: {  	[hbm4b:s15+s3] =	stream.indirect_vreg.scatter [tilespmem:s2], [sflag:$0x4], $0x80, v2, vm0, $0xb8;
	[tilespmem:$0xC880] =	vst v63  }
0xb7: {  	_ = 	snop  }
0xb8: {  	[hbm4b:s16+s3] =	stream.indirect_vreg.scatter [tilespmem:s24], [sflag:$0x4], $0x80, v2, vm0, $0xb8;
	[tilespmem:$0xC880] =	vst v63  }
0xb9: {  	_ = 	snop  }
0xba: {  	[hbm4b:s17+s3] =	stream.indirect_vreg.scatter [tilespmem:s5], [sflag:$0x4], $0x80, v2, vm0, $0xb8;
	[tilespmem:$0xC880] =	vst v63  }
0xbb: {  	_ = 	snop  }
0xbc: {  	[hbm4b:s18+s3] =	stream.indirect_vreg.scatter [tilespmem:s6], [sflag:$0x4], $0x80, v2, vm0, $0xb8;
	[tilespmem:$0xC880] =	vst v63  }
0xbd: {  	p2 =	slt.u32 s29, $0x3  }
0xbe: {  	[hbm4b:s19+s3] =	stream.indirect_vreg.scatter [tilespmem:s7], [sflag:$0x4], $0x80, v2, vm0, $0xb8;
	[tilespmem:$0xC880] =	vst v63  }
.Ltmp3:
0xbf: {  	s0 =	simm.s32 $0x1080;
	(pc) =	sbr.rel @p2 .LBB2_4-.Ltmp3, $4  }
0xc0: {  	s2 =	simm.s32 $0x1880;
	s24 =	simm.s32 $0x2080;
	s5 =	simm.s32 $0x2880  }
0xc1: {  	[hbm4b:s20+s3] =	stream.indirect_vreg.scatter [tilespmem:s26], [sflag:$0x4], $0x80, v2, vm0, $0xb8;
	[tilespmem:$0xC880] =	vst v63  }
0xc2: {  	s6 =	simm.s32 $0x3080;
	s7 =	simm.s32 $0x3880;
	s26 =	simm.s32 $0x4080  }
0xc3: {  	[hbm4b:s21+s3] =	stream.indirect_vreg.scatter [tilespmem:s28], [sflag:$0x4], $0x80, v2, vm0, $0xb8;
	[tilespmem:$0xC880] =	vst v63  }
0xc4: {  	v2 =	vld.msk [tilespmem:$0x500], $0xff;
	_ =	sdelay $0x4  }
0xc5: {  	v3 =	vshll.u32 v2, $0x4  }
0xc6: {  	v2 =	vand.u32 $0x7, v2;
	v3 =	vand.u32 $0xFFFFFF80, v3  }
0xc7: {  	v2 =	vor.u32 v2, v3  }
0xc8: {  	v2 =	vperm.xlane v2, v0;
	_ =	sdelay $0x1  }
0xc9: {  	v2 =	vadd.s32 v1, v2;
	_ =	sdelay $0x3  }
0xca: {  	s28 =	simm.s32 $0x8880  }
0xcb: {  	[tilespmem:s28], [sflag:$0x3] =	stream.indirect_vreg.gather [hbm4b:s1+s3], $0x80, v2, vm0, $0xb8;
	[tilespmem:$0xC880] =	vst v63  }
0xcc: {  	s30 =	simm.s32 $0x9080  }
0xcd: {  	[tilespmem:s30], [sflag:$0x3] =	stream.indirect_vreg.gather [hbm4b:s8+s3], $0x80, v2, vm0, $0xb8;
	[tilespmem:$0xC880] =	vst v63  }
0xce: {  	s30 =	simm.s32 $0x9880  }
0xcf: {  	[tilespmem:s30], [sflag:$0x3] =	stream.indirect_vreg.gather [hbm4b:s9+s3], $0x80, v2, vm0, $0xb8;
	[tilespmem:$0xC880] =	vst v63  }
0xd0: {  	s30 =	simm.s32 $0xA080  }
0xd1: {  	[tilespmem:s30], [sflag:$0x3] =	stream.indirect_vreg.gather [hbm4b:s10+s3], $0x80, v2, vm0, $0xb8;
	[tilespmem:$0xC880] =	vst v63  }
0xd2: {  	s30 =	simm.s32 $0xA880  }
0xd3: {  	[tilespmem:s30], [sflag:$0x3] =	stream.indirect_vreg.gather [hbm4b:s11+s3], $0x80, v2, vm0, $0xb8;
	[tilespmem:$0xC880] =	vst v63  }
0xd4: {  	s30 =	simm.s32 $0xB080  }
0xd5: {  	[tilespmem:s30], [sflag:$0x3] =	stream.indirect_vreg.gather [hbm4b:s12+s3], $0x80, v2, vm0, $0xb8;
	[tilespmem:$0xC880] =	vst v63  }
.Ltmp4:
0xd6: {  	_ = 	snop;
	(pc) =	sbr.rel .LBB2_5-.Ltmp4, $4  }
0xd7: {  	s30 =	simm.s32 $0xB880  }
0xd8: {  	[tilespmem:s30], [sflag:$0x3] =	stream.indirect_vreg.gather [hbm4b:s13+s3], $0x80, v2, vm0, $0xb8;
	[tilespmem:$0xC880] =	vst v63  }
0xd9: {  	s30 =	simm.s32 $0xC080  }
0xda: {  	[tilespmem:s30], [sflag:$0x3] =	stream.indirect_vreg.gather [hbm4b:s14+s3], $0x80, v2, vm0, $0xb8;
	[tilespmem:$0xC880] =	vst v63  }
.LBB2_4:
.Ltmp5:
0xdb: {  	(pc) =	sbr.rel @p0 .LBB2_21-.Ltmp5, $2  }
0xdc: {  	_ =	sdelay $0x2  }
0xdd: {  	s30 =	simm.s32 $0x4  }
.LBB2_5:
0xde: {  	s28 =	simm.s32 $0x2  }
0xdf: {  	_ =	swait.ge [sflag:s28], $0x4000  }
0xe0: {  	[sflag:s28] =	ssyncset.done $0x0  }
0xe1: {  	[sflag:s28] =	ssyncadd.s32 $0xFFFFC000  }
0xe2: {  	v2 =	vld.msk [tilespmem:$0x80], $0xff;
	_ =	sdelay $0x4  }
0xe3: {  	v3 =	vshll.u32 v2, $0x4  }
0xe4: {  	v2 =	vand.u32 $0x7, v2;
	v3 =	vand.u32 $0xFFFFFF80, v3  }
0xe5: {  	v2 =	vor.u32 v2, v3  }
0xe6: {  	v2 =	vperm.xlane v2, v0;
	_ =	sdelay $0x1  }
0xe7: {  	v2 =	vadd.s32 v1, v2;
	_ =	sdelay $0x3  }
0xe8: {  	s30 =	simm.s32 $0x4880  }
0xe9: {  	[hbm4b:s4+s3] =	stream.indirect_vreg.scatter [tilespmem:s30], [sflag:$0x5], $0x80, v2, vm0, $0xb8;
	[tilespmem:$0xC880] =	vst v63  }
0xea: {  	s30 =	simm.s32 $0x5080  }
0xeb: {  	[hbm4b:s15+s3] =	stream.indirect_vreg.scatter [tilespmem:s30], [sflag:$0x5], $0x80, v2, vm0, $0xb8;
	[tilespmem:$0xC880] =	vst v63  }
0xec: {  	s30 =	simm.s32 $0x5880  }
0xed: {  	[hbm4b:s16+s3] =	stream.indirect_vreg.scatter [tilespmem:s30], [sflag:$0x5], $0x80, v2, vm0, $0xb8;
	[tilespmem:$0xC880] =	vst v63  }
0xee: {  	s30 =	simm.s32 $0x6080  }
0xef: {  	[hbm4b:s17+s3] =	stream.indirect_vreg.scatter [tilespmem:s30], [sflag:$0x5], $0x80, v2, vm0, $0xb8;
	[tilespmem:$0xC880] =	vst v63  }
0xf0: {  	s30 =	simm.s32 $0x6880  }
0xf1: {  	[hbm4b:s18+s3] =	stream.indirect_vreg.scatter [tilespmem:s30], [sflag:$0x5], $0x80, v2, vm0, $0xb8;
	[tilespmem:$0xC880] =	vst v63  }
0xf2: {  	p1 =	slt.u32 s29, $0x4;
	s30 =	simm.s32 $0x7080  }
0xf3: {  	[hbm4b:s19+s3] =	stream.indirect_vreg.scatter [tilespmem:s30], [sflag:$0x5], $0x80, v2, vm0, $0xb8;
	[tilespmem:$0xC880] =	vst v63  }
.Ltmp6:
0xf4: {  	_ = 	snop;
	(pc) =	sbr.rel @p1 .LBB2_9-.Ltmp6, $4  }
0xf5: {  	s30 =	simm.s32 $0x7880  }
0xf6: {  	[hbm4b:s20+s3] =	stream.indirect_vreg.scatter [tilespmem:s30], [sflag:$0x5], $0x80, v2, vm0, $0xb8;
	[tilespmem:$0xC880] =	vst v63  }
0xf7: {  	s30 =	simm.s32 $0x8080  }
0xf8: {  	[hbm4b:s21+s3] =	stream.indirect_vreg.scatter [tilespmem:s30], [sflag:$0x5], $0x80, v2, vm0, $0xb8;
	[tilespmem:$0xC880] =	vst v63  }
0xf9: {  	s28 =	simm.s32 $0x4  }
0xfa: {  	_ =	swait.ge [sflag:s28], $0x4000  }
0xfb: {  	[sflag:s28] =	ssyncset.done $0x0  }
0xfc: {  	[sflag:s28] =	ssyncadd.s32 $0xFFFFC000  }
0xfd: {  	v2 =	vld.msk [tilespmem:$0x580], $0xff;
	_ =	sdelay $0x4  }
0xfe: {  	v3 =	vshll.u32 v2, $0x4  }
0xff: {  	v2 =	vand.u32 $0x7, v2;
	v3 =	vand.u32 $0xFFFFFF80, v3  }
0x100: {  	v2 =	vor.u32 v2, v3  }
0x101: {  	v2 =	vperm.xlane v2, v0;
	_ =	sdelay $0x1  }
0x102: {  	v2 =	vadd.s32 v1, v2;
	_ =	sdelay $0x4  }
0x103: {  	[tilespmem:s31], [sflag:$0x1] =	stream.indirect_vreg.gather [hbm4b:s1+s3], $0x80, v2, vm0, $0xb8;
	[tilespmem:$0xC880] =	vst v63  }
0x104: {  	_ = 	snop  }
0x105: {  	[tilespmem:s0], [sflag:$0x1] =	stream.indirect_vreg.gather [hbm4b:s8+s3], $0x80, v2, vm0, $0xb8;
	[tilespmem:$0xC880] =	vst v63  }
0x106: {  	_ = 	snop  }
0x107: {  	[tilespmem:s2], [sflag:$0x1] =	stream.indirect_vreg.gather [hbm4b:s9+s3], $0x80, v2, vm0, $0xb8;
	[tilespmem:$0xC880] =	vst v63  }
0x108: {  	_ = 	snop  }
0x109: {  	[tilespmem:s24], [sflag:$0x1] =	stream.indirect_vreg.gather [hbm4b:s10+s3], $0x80, v2, vm0, $0xb8;
	[tilespmem:$0xC880] =	vst v63  }
0x10a: {  	_ = 	snop  }
0x10b: {  	[tilespmem:s5], [sflag:$0x1] =	stream.indirect_vreg.gather [hbm4b:s11+s3], $0x80, v2, vm0, $0xb8;
	[tilespmem:$0xC880] =	vst v63  }
0x10c: {  	_ = 	snop  }
0x10d: {  	[tilespmem:s6], [sflag:$0x1] =	stream.indirect_vreg.gather [hbm4b:s12+s3], $0x80, v2, vm0, $0xb8;
	[tilespmem:$0xC880] =	vst v63  }
.Ltmp7:
0x10e: {  	_ = 	snop;
	(pc) =	sbr.rel .LBB2_7-.Ltmp7, $4  }
0x10f: {  	_ = 	snop  }
0x110: {  	[tilespmem:s7], [sflag:$0x1] =	stream.indirect_vreg.gather [hbm4b:s13+s3], $0x80, v2, vm0, $0xb8;
	[tilespmem:$0xC880] =	vst v63  }
0x111: {  	_ = 	snop  }
0x112: {  	[tilespmem:s26], [sflag:$0x1] =	stream.indirect_vreg.gather [hbm4b:s14+s3], $0x80, v2, vm0, $0xb8;
	[tilespmem:$0xC880] =	vst v63  }
.LBB2_9:
.Ltmp8:
0x113: {  	(pc) =	sbr.rel @p2 .LBB2_10-.Ltmp8, $1  }
0x114: {  	_ =	sdelay $0x3  }
.LBB2_7:
0x115: {  	s28 =	simm.s32 $0x3  }
0x116: {  	_ =	swait.ge [sflag:s28], $0x4000  }
0x117: {  	[sflag:s28] =	ssyncset.done $0x0  }
0x118: {  	[sflag:s28] =	ssyncadd.s32 $0xFFFFC000  }
0x119: {  	v2 =	vld.msk [tilespmem:$0x100], $0xff;
	_ =	sdelay $0x4  }
0x11a: {  	v3 =	vshll.u32 v2, $0x4  }
0x11b: {  	v2 =	vand.u32 $0x7, v2;
	v3 =	vand.u32 $0xFFFFFF80, v3  }
0x11c: {  	v2 =	vor.u32 v2, v3  }
0x11d: {  	v2 =	vperm.xlane v2, v0;
	_ =	sdelay $0x1  }
0x11e: {  	v2 =	vadd.s32 v1, v2;
	_ =	sdelay $0x3  }
0x11f: {  	s30 =	simm.s32 $0x8880  }
0x120: {  	[hbm4b:s4+s3] =	stream.indirect_vreg.scatter [tilespmem:s30], [sflag:$0x6], $0x80, v2, vm0, $0xb8;
	[tilespmem:$0xC880] =	vst v63  }
0x121: {  	s30 =	simm.s32 $0x9080  }
0x122: {  	[hbm4b:s15+s3] =	stream.indirect_vreg.scatter [tilespmem:s30], [sflag:$0x6], $0x80, v2, vm0, $0xb8;
	[tilespmem:$0xC880] =	vst v63  }
0x123: {  	s30 =	simm.s32 $0x9880  }
0x124: {  	[hbm4b:s16+s3] =	stream.indirect_vreg.scatter [tilespmem:s30], [sflag:$0x6], $0x80, v2, vm0, $0xb8;
	[tilespmem:$0xC880] =	vst v63  }
0x125: {  	s30 =	simm.s32 $0xA080  }
0x126: {  	[hbm4b:s17+s3] =	stream.indirect_vreg.scatter [tilespmem:s30], [sflag:$0x6], $0x80, v2, vm0, $0xb8;
	[tilespmem:$0xC880] =	vst v63  }
0x127: {  	s30 =	simm.s32 $0xA880  }
0x128: {  	[hbm4b:s18+s3] =	stream.indirect_vreg.scatter [tilespmem:s30], [sflag:$0x6], $0x80, v2, vm0, $0xb8;
	[tilespmem:$0xC880] =	vst v63  }
0x129: {  	p0 =	slt.u32 s29, $0x5;
	s30 =	simm.s32 $0xB080  }
0x12a: {  	[hbm4b:s19+s3] =	stream.indirect_vreg.scatter [tilespmem:s30], [sflag:$0x6], $0x80, v2, vm0, $0xb8;
	[tilespmem:$0xC880] =	vst v63  }
.Ltmp9:
0x12b: {  	_ = 	snop;
	(pc) =	sbr.rel @p0 .LBB2_11-.Ltmp9, $4  }
0x12c: {  	s30 =	simm.s32 $0xB880  }
0x12d: {  	[hbm4b:s20+s3] =	stream.indirect_vreg.scatter [tilespmem:s30], [sflag:$0x6], $0x80, v2, vm0, $0xb8;
	[tilespmem:$0xC880] =	vst v63  }
0x12e: {  	s30 =	simm.s32 $0xC080  }
0x12f: {  	[hbm4b:s21+s3] =	stream.indirect_vreg.scatter [tilespmem:s30], [sflag:$0x6], $0x80, v2, vm0, $0xb8;
	[tilespmem:$0xC880] =	vst v63  }
0x130: {  	s28 =	simm.s32 $0x5  }
0x131: {  	_ =	swait.ge [sflag:s28], $0x4000  }
0x132: {  	[sflag:s28] =	ssyncset.done $0x0  }
0x133: {  	[sflag:s28] =	ssyncadd.s32 $0xFFFFC000  }
0x134: {  	v2 =	vld.msk [tilespmem:$0x600], $0xff;
	_ =	sdelay $0x4  }
0x135: {  	v3 =	vshll.u32 v2, $0x4  }
0x136: {  	v2 =	vand.u32 $0x7, v2;
	v3 =	vand.u32 $0xFFFFFF80, v3  }
0x137: {  	v2 =	vor.u32 v2, v3  }
0x138: {  	v2 =	vperm.xlane v2, v0;
	_ =	sdelay $0x1  }
0x139: {  	v2 =	vadd.s32 v1, v2;
	_ =	sdelay $0x3  }
0x13a: {  	s30 =	simm.s32 $0x4880  }
0x13b: {  	[tilespmem:s30], [sflag:$0x2] =	stream.indirect_vreg.gather [hbm4b:s1+s3], $0x80, v2, vm0, $0xb8;
	[tilespmem:$0xC880] =	vst v63  }
0x13c: {  	s30 =	simm.s32 $0x5080  }
0x13d: {  	[tilespmem:s30], [sflag:$0x2] =	stream.indirect_vreg.gather [hbm4b:s8+s3], $0x80, v2, vm0, $0xb8;
	[tilespmem:$0xC880] =	vst v63  }
0x13e: {  	s30 =	simm.s32 $0x5880  }
0x13f: {  	[tilespmem:s30], [sflag:$0x2] =	stream.indirect_vreg.gather [hbm4b:s9+s3], $0x80, v2, vm0, $0xb8;
	[tilespmem:$0xC880] =	vst v63  }
0x140: {  	s30 =	simm.s32 $0x6080  }
0x141: {  	[tilespmem:s30], [sflag:$0x2] =	stream.indirect_vreg.gather [hbm4b:s10+s3], $0x80, v2, vm0, $0xb8;
	[tilespmem:$0xC880] =	vst v63  }
0x142: {  	s30 =	simm.s32 $0x6880  }
0x143: {  	[tilespmem:s30], [sflag:$0x2] =	stream.indirect_vreg.gather [hbm4b:s11+s3], $0x80, v2, vm0, $0xb8;
	[tilespmem:$0xC880] =	vst v63  }
0x144: {  	s30 =	simm.s32 $0x7080  }
0x145: {  	[tilespmem:s30], [sflag:$0x2] =	stream.indirect_vreg.gather [hbm4b:s12+s3], $0x80, v2, vm0, $0xb8;
	[tilespmem:$0xC880] =	vst v63  }
.Ltmp10:
0x146: {  	_ = 	snop;
	(pc) =	sbr.rel .LBB2_12-.Ltmp10, $4  }
0x147: {  	s30 =	simm.s32 $0x7880  }
0x148: {  	[tilespmem:s30], [sflag:$0x2] =	stream.indirect_vreg.gather [hbm4b:s13+s3], $0x80, v2, vm0, $0xb8;
	[tilespmem:$0xC880] =	vst v63  }
0x149: {  	s30 =	simm.s32 $0x8080  }
0x14a: {  	[tilespmem:s30], [sflag:$0x2] =	stream.indirect_vreg.gather [hbm4b:s14+s3], $0x80, v2, vm0, $0xb8;
	[tilespmem:$0xC880] =	vst v63  }
.LBB2_11:
.Ltmp11:
0x14b: {  	(pc) =	sbr.rel @p1 .LBB2_19-.Ltmp11, $1  }
0x14c: {  	_ =	sdelay $0x3  }
.LBB2_12:
0x14d: {  	_ =	swait.ge [sflag:s25], $0x4000  }
0x14e: {  	[sflag:s25] =	ssyncset.done $0x0  }
0x14f: {  	[sflag:s25] =	ssyncadd.s32 $0xFFFFC000  }
0x150: {  	v2 =	vld.msk [tilespmem:$0x180], $0xff;
	_ =	sdelay $0x4  }
0x151: {  	v3 =	vshll.u32 v2, $0x4  }
0x152: {  	v2 =	vand.u32 $0x7, v2;
	v3 =	vand.u32 $0xFFFFFF80, v3  }
0x153: {  	v2 =	vor.u32 v2, v3  }
0x154: {  	v2 =	vperm.xlane v2, v0;
	_ =	sdelay $0x1  }
0x155: {  	v2 =	vadd.s32 v1, v2;
	_ =	sdelay $0x4  }
0x156: {  	[hbm4b:s4+s3] =	stream.indirect_vreg.scatter [tilespmem:s31], [sflag:$0x4], $0x80, v2, vm0, $0xb8;
	[tilespmem:$0xC880] =	vst v63  }
0x157: {  	_ = 	snop  }
0x158: {  	[hbm4b:s15+s3] =	stream.indirect_vreg.scatter [tilespmem:s0], [sflag:$0x4], $0x80, v2, vm0, $0xb8;
	[tilespmem:$0xC880] =	vst v63  }
0x159: {  	_ = 	snop  }
0x15a: {  	[hbm4b:s16+s3] =	stream.indirect_vreg.scatter [tilespmem:s2], [sflag:$0x4], $0x80, v2, vm0, $0xb8;
	[tilespmem:$0xC880] =	vst v63  }
0x15b: {  	_ = 	snop  }
0x15c: {  	[hbm4b:s17+s3] =	stream.indirect_vreg.scatter [tilespmem:s24], [sflag:$0x4], $0x80, v2, vm0, $0xb8;
	[tilespmem:$0xC880] =	vst v63  }
0x15d: {  	_ = 	snop  }
0x15e: {  	[hbm4b:s18+s3] =	stream.indirect_vreg.scatter [tilespmem:s5], [sflag:$0x4], $0x80, v2, vm0, $0xb8;
	[tilespmem:$0xC880] =	vst v63  }
0x15f: {  	p1 =	slt.u32 s29, $0x6  }
0x160: {  	[hbm4b:s19+s3] =	stream.indirect_vreg.scatter [tilespmem:s6], [sflag:$0x4], $0x80, v2, vm0, $0xb8;
	[tilespmem:$0xC880] =	vst v63  }
.Ltmp12:
0x161: {  	_ = 	snop;
	(pc) =	sbr.rel @p1 .LBB2_14-.Ltmp12, $4  }
0x162: {  	_ = 	snop  }
0x163: {  	[hbm4b:s20+s3] =	stream.indirect_vreg.scatter [tilespmem:s7], [sflag:$0x4], $0x80, v2, vm0, $0xb8;
	[tilespmem:$0xC880] =	vst v63  }
0x164: {  	_ = 	snop  }
0x165: {  	[hbm4b:s21+s3] =	stream.indirect_vreg.scatter [tilespmem:s26], [sflag:$0x4], $0x80, v2, vm0, $0xb8;
	[tilespmem:$0xC880] =	vst v63  }
0x166: {  	s28 =	simm.s32 $0x6  }
0x167: {  	_ =	swait.ge [sflag:s28], $0x4000  }
0x168: {  	[sflag:s28] =	ssyncset.done $0x0  }
0x169: {  	[sflag:s28] =	ssyncadd.s32 $0xFFFFC000  }
0x16a: {  	v2 =	vld.msk [tilespmem:$0x680], $0xff;
	_ =	sdelay $0x4  }
0x16b: {  	v3 =	vshll.u32 v2, $0x4  }
0x16c: {  	v2 =	vand.u32 $0x7, v2;
	v3 =	vand.u32 $0xFFFFFF80, v3  }
0x16d: {  	v2 =	vor.u32 v2, v3  }
0x16e: {  	v2 =	vperm.xlane v2, v0;
	_ =	sdelay $0x1  }
0x16f: {  	v2 =	vadd.s32 v1, v2;
	_ =	sdelay $0x3  }
0x170: {  	s30 =	simm.s32 $0x8880  }
0x171: {  	[tilespmem:s30], [sflag:$0x3] =	stream.indirect_vreg.gather [hbm4b:s1+s3], $0x80, v2, vm0, $0xb8;
	[tilespmem:$0xC880] =	vst v63  }
0x172: {  	s30 =	simm.s32 $0x9080  }
0x173: {  	[tilespmem:s30], [sflag:$0x3] =	stream.indirect_vreg.gather [hbm4b:s8+s3], $0x80, v2, vm0, $0xb8;
	[tilespmem:$0xC880] =	vst v63  }
0x174: {  	s30 =	simm.s32 $0x9880  }
0x175: {  	[tilespmem:s30], [sflag:$0x3] =	stream.indirect_vreg.gather [hbm4b:s9+s3], $0x80, v2, vm0, $0xb8;
	[tilespmem:$0xC880] =	vst v63  }
0x176: {  	s30 =	simm.s32 $0xA080  }
0x177: {  	[tilespmem:s30], [sflag:$0x3] =	stream.indirect_vreg.gather [hbm4b:s10+s3], $0x80, v2, vm0, $0xb8;
	[tilespmem:$0xC880] =	vst v63  }
0x178: {  	s30 =	simm.s32 $0xA880  }
0x179: {  	[tilespmem:s30], [sflag:$0x3] =	stream.indirect_vreg.gather [hbm4b:s11+s3], $0x80, v2, vm0, $0xb8;
	[tilespmem:$0xC880] =	vst v63  }
0x17a: {  	s30 =	simm.s32 $0xB080  }
0x17b: {  	[tilespmem:s30], [sflag:$0x3] =	stream.indirect_vreg.gather [hbm4b:s12+s3], $0x80, v2, vm0, $0xb8;
	[tilespmem:$0xC880] =	vst v63  }
.Ltmp13:
0x17c: {  	_ = 	snop;
	(pc) =	sbr.rel .LBB2_15-.Ltmp13, $4  }
0x17d: {  	s30 =	simm.s32 $0xB880  }
0x17e: {  	[tilespmem:s30], [sflag:$0x3] =	stream.indirect_vreg.gather [hbm4b:s13+s3], $0x80, v2, vm0, $0xb8;
	[tilespmem:$0xC880] =	vst v63  }
0x17f: {  	s30 =	simm.s32 $0xC080  }
0x180: {  	[tilespmem:s30], [sflag:$0x3] =	stream.indirect_vreg.gather [hbm4b:s14+s3], $0x80, v2, vm0, $0xb8;
	[tilespmem:$0xC880] =	vst v63  }
.LBB2_14:
.Ltmp14:
0x181: {  	(pc) =	sbr.rel @p0 .LBB2_19-.Ltmp14, $1  }
0x182: {  	_ =	sdelay $0x3  }
.LBB2_15:
0x183: {  	s28 =	simm.s32 $0x2  }
0x184: {  	_ =	swait.ge [sflag:s28], $0x4000  }
0x185: {  	[sflag:s28] =	ssyncset.done $0x0  }
0x186: {  	[sflag:s28] =	ssyncadd.s32 $0xFFFFC000  }
0x187: {  	v2 =	vld.msk [tilespmem:$0x200], $0xff;
	_ =	sdelay $0x4  }
0x188: {  	v3 =	vshll.u32 v2, $0x4  }
0x189: {  	v2 =	vand.u32 $0x7, v2;
	v3 =	vand.u32 $0xFFFFFF80, v3  }
0x18a: {  	v2 =	vor.u32 v2, v3  }
0x18b: {  	v2 =	vperm.xlane v2, v0;
	_ =	sdelay $0x1  }
0x18c: {  	v2 =	vadd.s32 v1, v2;
	_ =	sdelay $0x3  }
0x18d: {  	s30 =	simm.s32 $0x4880  }
0x18e: {  	[hbm4b:s4+s3] =	stream.indirect_vreg.scatter [tilespmem:s30], [sflag:$0x5], $0x80, v2, vm0, $0xb8;
	[tilespmem:$0xC880] =	vst v63  }
0x18f: {  	s30 =	simm.s32 $0x5080  }
0x190: {  	[hbm4b:s15+s3] =	stream.indirect_vreg.scatter [tilespmem:s30], [sflag:$0x5], $0x80, v2, vm0, $0xb8;
	[tilespmem:$0xC880] =	vst v63  }
0x191: {  	s30 =	simm.s32 $0x5880  }
0x192: {  	[hbm4b:s16+s3] =	stream.indirect_vreg.scatter [tilespmem:s30], [sflag:$0x5], $0x80, v2, vm0, $0xb8;
	[tilespmem:$0xC880] =	vst v63  }
0x193: {  	s30 =	simm.s32 $0x6080  }
0x194: {  	[hbm4b:s17+s3] =	stream.indirect_vreg.scatter [tilespmem:s30], [sflag:$0x5], $0x80, v2, vm0, $0xb8;
	[tilespmem:$0xC880] =	vst v63  }
0x195: {  	s30 =	simm.s32 $0x6880  }
0x196: {  	[hbm4b:s18+s3] =	stream.indirect_vreg.scatter [tilespmem:s30], [sflag:$0x5], $0x80, v2, vm0, $0xb8;
	[tilespmem:$0xC880] =	vst v63  }
0x197: {  	p0 =	slt.u32 s29, $0x7;
	s30 =	simm.s32 $0x7080  }
0x198: {  	[hbm4b:s19+s3] =	stream.indirect_vreg.scatter [tilespmem:s30], [sflag:$0x5], $0x80, v2, vm0, $0xb8;
	[tilespmem:$0xC880] =	vst v63  }
.Ltmp15:
0x199: {  	_ = 	snop;
	(pc) =	sbr.rel @!p0 .LBB2_16-.Ltmp15, $4  }
0x19a: {  	s30 =	simm.s32 $0x7880  }
0x19b: {  	[hbm4b:s20+s3] =	stream.indirect_vreg.scatter [tilespmem:s30], [sflag:$0x5], $0x80, v2, vm0, $0xb8;
	[tilespmem:$0xC880] =	vst v63  }
0x19c: {  	s30 =	simm.s32 $0x8080  }
0x19d: {  	[hbm4b:s21+s3] =	stream.indirect_vreg.scatter [tilespmem:s30], [sflag:$0x5], $0x80, v2, vm0, $0xb8;
	[tilespmem:$0xC880] =	vst v63  }
.Ltmp16:
0x19e: {  	(pc) =	sbr.rel @p1 .LBB2_19-.Ltmp16, $4  }
.Ltmp17:
0x19f: {  	(pc) =	sbr.rel @!p1 .LBB2_18-.Ltmp17, $4  }
0x1a0: {  	_ = 	snop  }
0x1a1: {  	_ = 	snop  }
0x1a2: {  	_ = 	snop  }
0x1a3: {  	_ = 	snop  }
.LBB2_10:
.Ltmp18:
0x1a4: {  	(pc) =	sbr.rel .LBB2_20-.Ltmp18, $2  }
0x1a5: {  	_ =	sdelay $0x2  }
0x1a6: {  	s30 =	simm.s32 $0x5;
	s29 =	simm.s32 $0x4  }
.LBB2_23:
0x1a7: {  	_ =	sfence.sel $0x180000  }
0x1a8: {  	[bflag:$0x0] =	sbarrier.arrive $0xFFFF  }
0x1a9: {  	_ =	strace $0x90000047  }
0x1aa: {  	s0 =	stileid.u32;
	[bflag:$0x2] =	sbarrier.arrive $0xFFFF  }
0x1ab: {  	p0 =	sne.s32 s0, $0x0;
	s0 =	rddreg [dreg:$0x4]  }
0x1ac: {  	s0 =	sadd.s32 @!p0 $0x100000, s0  }
0x1ad: {  	[sflag:s0] =	ssyncadd.tile.s32 @!p0 $0x1;
	_ =	shalt  }
.Lfunc_end2:
_tile_overlayer_lowered:
.L_overlay_start_2:
0x1ae: {  	(tag) =	ssettag $0x2  }
0x1af: {  	s0 =	rddreg [dreg:$0x0];
	s2 =	stileid.u32  }
0x1b0: {  	s1 =	rddreg [dreg:$0x1];
	p0 =	sne.s32 s2, $0x0  }
0x1b1: {  	s3 =	rddreg [dreg:$0x2];
	[bflag:$0x3] =	sbarrier.arrive $0xFFFF;
	s2 =	simm.s32 @!p0 $0x1C07  }
0x1b2: {  	[timem:s3], [sflag:s2] =	dma.local @!p0 [hbm:s0], s1  }
0x1b3: {  	s0 =	simm.s32 @!p0 $0x7  }
0x1b4: {  	_ =	swait.ge @!p0 [sflag:s0], s1  }
0x1b5: {  	s1 =	ssub.s32 @!p0 $0x0, s1;
	[sflag:s0] =	ssyncset.done @!p0 $0x0  }
0x1b6: {  	[sflag:s0] =	ssyncadd.s32 @!p0 s1  }
0x1b7: {  	[bflag:$0x3] =	sbarrier.arrive $0xFFFF  }
0x1b8: {  	_ =	shalt  }

</sc_bundles>
